<compile_context>
chip_gen: v7x
topology: tpu7x:2x2x1
jax: 0.10.2.dev20260603
libtpu: 0.0.44.dev20260713+nightly
codegen_flags: <defaults>
</compile_context>

<pallas_src>
import functools

import jax
import jax.numpy as jnp
from jax import lax
from jax.experimental import pallas as pl
from jax.experimental.pallas import tpu as pltpu
from jax.experimental.pallas import tpu_sc as plsc

N_NODES = 100000
N_EDGE_TYPES = 1000
B = 16384
HID = 64
BM = 8192
NBLK = 13
CM = 4096
NW = 32
HN_PER_W = 2 * B // NW
ET_PER_W = B // NW
CHUNK = 128
RND = 256


def _tmat(a, b):
    return lax.dot_general(a, b, (((0,), (0,)), ((), ())),
                           preferred_element_type=jnp.float32)


def _node_body(cont_ref, codes_ref, h_ref, c_ref,
               wxcb_ref, wxcat_ref, ntab_ref, wh_ref, wc2_ref,
               wco_ref, eye_ref,
               eid_ref, etab_ref, ecodes_ref, w1ef_ref,
               hn_ref, cn_ref, hc_ref, etc_ref, wbig_ref):
    f32 = jnp.float32

    @pl.when(pl.program_id(0) == 0)
    def _():
        folds = [wxcat_ref[k] @ ntab_ref[k] for k in range(3)]
        wbig_ref[:, 0:384] = jnp.concatenate(folds, axis=1)
        wbig_ref[:, 384:448] = wh_ref[...]
        eye = eye_ref[0:HID, 0:HID]
        wbig_ref[:, 448:512] = jnp.concatenate(
            [eye * wc2_ref[0:1, :], eye * wc2_ref[1:2, :],
             jnp.zeros((128, HID), f32)], axis=0)
        ec = ecodes_ref[...]
        sub20 = lax.broadcasted_iota(jnp.int32, (20, N_EDGE_TYPES), 0)
        oh0 = (sub20 == ec[0:1, :]).astype(f32)
        oh1 = (sub20 == ec[1:2, :]).astype(f32)
        etcT = (_tmat(eid_ref[...], w1ef_ref[0:32, :])
                + _tmat(oh0, etab_ref[0] @ w1ef_ref[32:48, :])
                + _tmat(oh1, etab_ref[1] @ w1ef_ref[48:64, :]))
        etc_ref[...] = jnp.concatenate(
            [etcT, jnp.zeros((N_EDGE_TYPES, HID), f32)], axis=1)

    codes = codes_ref[...]
    sub = lax.broadcasted_iota(jnp.int32, (128, BM), 0)
    oh = jnp.concatenate(
        [(sub == codes[k:k + 1, :]).astype(f32) for k in range(3)],
        axis=0)
    h = h_ref[...]
    c = c_ref[...]
    m = jnp.concatenate([oh, h, c], axis=0)
    m2 = jnp.concatenate([cont_ref[...], jnp.ones((1, BM), f32)], axis=0)
    pre = (jnp.dot(wbig_ref[...], m, preferred_element_type=f32)
           + wxcb_ref[...] @ m2)
    sif = jax.nn.sigmoid(pre[0:128, :])
    ig = sif[0:64, :]
    fg = sif[64:128, :]
    tg = jnp.tanh(pre[128:192, :])
    cn = fg * c + ig * tg
    so = jax.nn.sigmoid(jnp.concatenate(
        [pre[192:256, :] + wco_ref[...] * cn, 2.0 * cn], axis=0))
    hn = so[0:64, :] * (2.0 * so[64:128, :] - 1.0)
    hn_ref[...] = hn
    cn_ref[...] = cn
    hc_ref[...] = _tmat(jnp.concatenate([hn, cn], axis=0), eye_ref[...])


def _node_sweep(contT, codes, hT, cT, wxcb, wxcatT, ntabT, whT, wc2,
                wco, eye64, eid_tabT, etab, ecodes, w1ef):
    f32 = jnp.float32
    bcast2 = lambda shape: pl.BlockSpec(shape, lambda i: (0, 0))
    bcast3 = lambda shape: pl.BlockSpec(shape, lambda i: (0, 0, 0))
    return pl.pallas_call(
        _node_body,
        grid=(NBLK,),
        in_specs=[
            pl.BlockSpec((2, BM), lambda i: (0, i)),
            pl.BlockSpec((3, BM), lambda i: (0, i)),
            pl.BlockSpec((HID, BM), lambda i: (0, i)),
            pl.BlockSpec((HID, BM), lambda i: (0, i)),
            bcast2((256, 3)),
            bcast3((3, 256, 16)),
            bcast3((3, 16, 128)),
            bcast2((256, HID)),
            bcast2((2, HID)),
            bcast2((HID, 1)),
            bcast2((2 * HID, 2 * HID)),
            bcast2((32, N_EDGE_TYPES)),
            bcast3((2, 20, 16)),
            bcast2((2, N_EDGE_TYPES)),
            bcast2((HID, HID)),
        ],
        scratch_shapes=[pltpu.VMEM((256, 512), f32)],
        out_specs=[
            pl.BlockSpec((HID, BM), lambda i: (0, i)),
            pl.BlockSpec((HID, BM), lambda i: (0, i)),
            pl.BlockSpec((BM, 2 * HID), lambda i: (i, 0)),
            pl.BlockSpec((N_EDGE_TYPES, 2 * HID), lambda i: (0, 0)),
        ],
        out_shape=[
            jax.ShapeDtypeStruct((HID, N_NODES), f32),
            jax.ShapeDtypeStruct((HID, N_NODES), f32),
            jax.ShapeDtypeStruct((N_NODES, 2 * HID), f32),
            jax.ShapeDtypeStruct((N_EDGE_TYPES, 2 * HID), f32),
        ],
    )(contT, codes, hT, cT, wxcb, wxcatT, ntabT, whT, wc2, wco,
      eye64, eid_tabT, etab, ecodes, w1ef)


def _sc_gather(hc, etc_tab, idx_hn, idx_et):
    f32 = jnp.float32
    mesh = plsc.VectorSubcoreMesh(core_axis_name="c", subcore_axis_name="s")

    @functools.partial(
        pl.kernel, mesh=mesh,
        out_type=[jax.ShapeDtypeStruct((2 * B, 2 * HID), f32),
                  jax.ShapeDtypeStruct((B, 2 * HID), f32)],
        scratch_types=[
            pltpu.VMEM((HN_PER_W // CHUNK, CHUNK), jnp.int32),
            pltpu.VMEM((ET_PER_W // CHUNK, CHUNK), jnp.int32),
            pltpu.VMEM((RND, 2 * HID), f32),
            pltpu.VMEM((RND, 2 * HID), f32),
            pltpu.SemaphoreType.DMA,
            pltpu.SemaphoreType.DMA,
        ],
    )
    def gk(hc_hbm, etc_hbm, idx1_hbm, idx2_hbm, out1_hbm, out2_hbm,
           idx1_v, idx2_v, rows_a, rows_b, gsem, wsem):
        wid = lax.axis_index("s") * 2 + lax.axis_index("c")
        pltpu.sync_copy(idx1_hbm.at[wid], idx1_v)
        pltpu.sync_copy(idx2_hbm.at[wid], idx2_v)
        cpr = RND // CHUNK
        nr1 = HN_PER_W // RND
        nrounds = nr1 + ET_PER_W // RND
        bufs = [rows_a, rows_b]
        writes = [None, None]
        for r in range(nrounds):
            buf = bufs[r % 2]
            if writes[r % 2] is not None:
                writes[r % 2].wait()
            if r < nr1:
                gat = [pltpu.async_copy(hc_hbm.at[idx1_v.at[r * cpr + j]],
                                        buf.at[pl.ds(j * CHUNK, CHUNK)], gsem)
                       for j in range(cpr)]
                dst = out1_hbm.at[pl.ds(wid * HN_PER_W + r * RND, RND)]
            else:
                r2 = r - nr1
                gat = [pltpu.async_copy(etc_hbm.at[idx2_v.at[r2 * cpr + j]],
                                        buf.at[pl.ds(j * CHUNK, CHUNK)], gsem)
                       for j in range(cpr)]
                dst = out2_hbm.at[pl.ds(wid * ET_PER_W + r2 * RND, RND)]
            for cp in gat:
                cp.wait()
            writes[r % 2] = pltpu.async_copy(buf, dst, wsem)
        for w in writes:
            if w is not None:
                w.wait()

    return gk(hc, etc_tab, idx_hn, idx_et)


def _mlp_body(se_ref, de_ref, efc_ref, t_ref,
              w1s_ref, w1d_ref, wtT_ref, btT_ref, w1t_ref, b1_ref, w2_ref,
              b2_ref, out_ref):
    f32 = jnp.float32
    teT = wtT_ref[...] @ t_ref[...] + btT_ref[...]
    hid = (jnp.dot(se_ref[...][:, 0:HID], w1s_ref[...],
                   preferred_element_type=f32)
           + jnp.dot(de_ref[...][:, 0:HID], w1d_ref[...],
                     preferred_element_type=f32)
           + efc_ref[...][:, 0:HID]
           + _tmat(teT, w1t_ref[...])
           + b1_ref[...])
    hid = jnp.maximum(hid, 0.0)
    logitT = lax.dot_general(w2_ref[...], hid, (((0,), (1,)), ((), ())),
                             preferred_element_type=f32)
    out_ref[...] = jax.nn.sigmoid(logitT + b2_ref[...])


def _link_mlp(g1, g2, t_relT, w1s, w1d, wtT, btT, w1t, b1, w2, b2):
    f32 = jnp.float32
    nblk = B // CM
    bcast2 = lambda shape: pl.BlockSpec(shape, lambda i: (0, 0))
    return pl.pallas_call(
        _mlp_body,
        grid=(nblk,),
        in_specs=[
            pl.BlockSpec((CM, 2 * HID), lambda i: (i, 0)),
            pl.BlockSpec((CM, 2 * HID), lambda i: (i + nblk, 0)),
            pl.BlockSpec((CM, 2 * HID), lambda i: (i, 0)),
            pl.BlockSpec((1, CM), lambda i: (0, i)),
            bcast2((HID, HID)),
            bcast2((HID, HID)),
            bcast2((16, 1)),
            bcast2((16, 1)),
            bcast2((16, HID)),
            bcast2((1, HID)),
            bcast2((HID, 1)),
            bcast2((1, 1)),
        ],
        out_specs=pl.BlockSpec((1, CM), lambda i: (0, i)),
        out_shape=jax.ShapeDtypeStruct((1, B), f32),
    )(g1, g1, g2, t_relT, w1s, w1d, wtT, btT, w1t, b1, w2, b2)


def kernel(src_node_ids, dst_node_ids, edge_type_ids, t_rel,
           raw_all_node_features_cont, node_cat_codes, edge_cat_codes,
           current_graph_edge_index, h_prev, c_prev, params):
    del current_graph_edge_index
    p = params
    f32 = jnp.float32

    codes = node_cat_codes.astype(jnp.int32)
    ecodes = edge_cat_codes.astype(jnp.int32)
    wx_all = jnp.concatenate(
        [p["Wx_i"], p["Wx_f"], p["Wx_c"], p["Wx_o"]], axis=1)
    whT = jnp.concatenate(
        [p["Wh_i"], p["Wh_f"], p["Wh_c"], p["Wh_o"]], axis=1).T
    b_col = jnp.concatenate(
        [p["bx_" + g] + p["bh_" + g] + p["b_" + g] for g in "ifco"])[:, None]
    wxcb = jnp.concatenate([wx_all[0:2].T, b_col], axis=1)
    wxcatT = jnp.moveaxis(wx_all[2:50].reshape(3, 16, 256), 1, 2)
    ntabT = jnp.pad(jnp.moveaxis(p["node_cat_tables"], 1, 2),
                    ((0, 0), (0, 0), (0, 28)))
    wc2 = jnp.stack([p["w_c_i"], p["w_c_f"]])
    wco = p["w_c_o"][:, None]
    eye128 = jnp.eye(2 * HID, dtype=f32)
    w1 = p["W1"]
    w1s, w1d, w1ef, w1t = w1[0:64], w1[64:128], w1[128:192], w1[192:208]

    idx_hn = jnp.concatenate([src_node_ids, dst_node_ids]).astype(
        jnp.int32).reshape(NW, HN_PER_W // CHUNK, CHUNK)
    idx_et = edge_type_ids.astype(jnp.int32).reshape(
        NW, ET_PER_W // CHUNK, CHUNK)

    hnT, cnT, hc, etc_tab = _node_sweep(
        raw_all_node_features_cont.T, codes, h_prev.T, c_prev.T,
        wxcb, wxcatT, ntabT, whT, wc2, wco, eye128,
        p["edge_id_table"].T, p["edge_cat_tables"], ecodes, w1ef)

    g1, g2 = _sc_gather(hc, etc_tab, idx_hn, idx_et)

    prob = _link_mlp(g1, g2, t_rel.astype(f32).T, w1s, w1d,
                     p["Wt"].T, p["bt"][:, None], w1t, p["b1"][None],
                     p["W2"], p["b2"][None])
    return prob.reshape(B), hnT.T, cnT.T

# --- scband reference (transcript-rebuilt; emitter-appended) ---
"""Pipeline reference for scband-temporal-link-predictor-26637387170221 (READ-ONLY COPY).

The authoritative reference and input builder live on the scoring server;
editing this copy changes nothing except your own understanding.
"""

import jax, jax.numpy as jnp
import numpy as np

N_NODES = 100000
N_EDGE_TYPES = 1000
B = 16384
E = 1600000
NODE_CARDS = [100, 100, 100]
EDGE_CARDS = [20, 20]
CONT_DIM = 2
NODE_CAT_ED = 16
ET_ID_ED = 32
ET_CAT_ED = 16
TIME_ED = 16
HID = 64
PRED_HID = 64
IN_DIM = CONT_DIM + len(NODE_CARDS) * NODE_CAT_ED
PRED_IN = 2 * HID + (ET_ID_ED + len(EDGE_CARDS) * ET_CAT_ED) + TIME_ED


def _make_params():
    keys = iter(jax.random.split(jax.random.key(1), 64))
    def nrm(shape, s=0.05):
        return s * jax.random.normal(next(keys), shape, dtype=jnp.float32)
    p = {}
    p["node_cat_tables"] = nrm((len(NODE_CARDS), NODE_CARDS[0], NODE_CAT_ED))
    p["edge_id_table"] = nrm((N_EDGE_TYPES, ET_ID_ED))
    p["edge_cat_tables"] = nrm((len(EDGE_CARDS), EDGE_CARDS[0], ET_CAT_ED))
    p["Wt"] = nrm((1, TIME_ED))
    p["bt"] = jnp.zeros((TIME_ED,), jnp.float32)
    for g in "ifco":
        p["Wx_" + g] = nrm((IN_DIM, HID))
        p["bx_" + g] = jnp.zeros((HID,), jnp.float32)
        p["Wh_" + g] = nrm((HID, HID))
        p["bh_" + g] = jnp.zeros((HID,), jnp.float32)
        p["b_" + g] = jnp.zeros((HID,), jnp.float32)
    for g in "ifo":
        p["w_c_" + g] = nrm((HID,))
    p["W1"] = nrm((PRED_IN, PRED_HID))
    p["b1"] = jnp.zeros((PRED_HID,), jnp.float32)
    p["W2"] = nrm((PRED_HID, 1))
    p["b2"] = jnp.zeros((1,), jnp.float32)
    return p


def setup_inputs():
    keys = iter(jax.random.split(jax.random.key(0), 16))
    inp = {}
    inp["src_node_ids"] = jax.random.randint(next(keys), (B,), 0, N_NODES)
    inp["dst_node_ids"] = jax.random.randint(next(keys), (B,), 0, N_NODES)
    inp["edge_type_ids"] = jax.random.randint(next(keys), (B,), 0, N_EDGE_TYPES)
    inp["t_rel"] = jax.random.uniform(next(keys), (B, 1), dtype=jnp.float32)
    inp["raw_all_node_features_cont"] = jax.random.normal(next(keys), (N_NODES, CONT_DIM), dtype=jnp.float32)
    inp["node_cat_codes"] = jax.random.randint(next(keys), (len(NODE_CARDS), N_NODES), 0, NODE_CARDS[0])
    inp["edge_cat_codes"] = jax.random.randint(next(keys), (len(EDGE_CARDS), N_EDGE_TYPES), 0, EDGE_CARDS[0])
    inp["current_graph_edge_index"] = jax.random.randint(next(keys), (2, E), 0, N_NODES)
    inp["h_prev"] = 0.1 * jax.random.normal(next(keys), (N_NODES, HID), dtype=jnp.float32)
    inp["c_prev"] = 0.1 * jax.random.normal(next(keys), (N_NODES, HID), dtype=jnp.float32)
    inp["params"] = _make_params()
    return inp


def _forward(t_rel, node_cont, h_prev, c_prev, p, src, dst, et_ids, node_cat_codes, edge_cat_codes):
    # process node features: continuous || cat embeddings (gathers)
    cat_e = jnp.concatenate([p["node_cat_tables"][i][node_cat_codes[i]] for i in range(len(NODE_CARDS))], axis=-1)
    X = jnp.concatenate([node_cont, cat_e], axis=-1)
    # batch edge-type features: id embedding + per-feature cat embeddings (double gather)
    ide = p["edge_id_table"][et_ids]
    ece = jnp.concatenate([p["edge_cat_tables"][i][edge_cat_codes[i][et_ids]] for i in range(len(EDGE_CARDS))], axis=-1)
    ef = jnp.concatenate([ide, ece], axis=-1)
    te = t_rel @ p["Wt"] + p["bt"]
    # GConvLSTM with K=1: ChebConv(K=1) = lins[0](x) + bias, a per-node linear (no propagation)
    def cx(g):
        return X @ p["Wx_" + g] + p["bx_" + g]
    def ch(h, g):
        return h @ p["Wh_" + g] + p["bh_" + g]
    I = jax.nn.sigmoid(cx("i") + ch(h_prev, "i") + p["w_c_i"] * c_prev + p["b_i"])
    F = jax.nn.sigmoid(cx("f") + ch(h_prev, "f") + p["w_c_f"] * c_prev + p["b_f"])
    T = jnp.tanh(cx("c") + ch(h_prev, "c") + p["b_c"])
    Cn = F * c_prev + I * T
    O = jax.nn.sigmoid(cx("o") + ch(h_prev, "o") + p["w_c_o"] * Cn + p["b_o"])
    Hn = O * jnp.tanh(Cn)
    se = Hn[src]
    de = Hn[dst]
    comb = jnp.concatenate([se, de, ef, te], axis=-1)
    hid = jax.nn.relu(comb @ p["W1"] + p["b1"])
    prob = jax.nn.sigmoid(hid @ p["W2"] + p["b2"])
    return prob.squeeze(-1), Hn, Cn


def reference(src_node_ids, dst_node_ids, edge_type_ids, t_rel, raw_all_node_features_cont, node_cat_codes, edge_cat_codes, current_graph_edge_index, h_prev, c_prev, params):
    del current_graph_edge_index  # ChebConv with K=1 never reads the edge list
    return _forward(t_rel, raw_all_node_features_cont, h_prev, c_prev, params, src_node_ids, dst_node_ids, edge_type_ids, node_cat_codes, edge_cat_codes)

if __name__ == "__main__":
    import jax
    _d = setup_inputs()
    print(jax.jit(kernel)(*tuple(_d.values())))

</pallas_src>

<mosaic_0001>
#map = affine_map<(d0, d1) -> (0, 0)>
#map1 = affine_map<(d0, d1) -> (0, 0, 0)>
module attributes {stable_mosaic.version = 14 : i64} {
  func.func @gk(%arg0: i32, %arg1: i32, %arg2: memref<100000x128xf32, #tpu.memory_space<hbm>>, %arg3: memref<1000x128xf32, #tpu.memory_space<hbm>>, %arg4: memref<32x8x128xi32, #tpu.memory_space<hbm>>, %arg5: memref<32x4x128xi32, #tpu.memory_space<hbm>>, %arg6: memref<32768x128xf32, #tpu.memory_space<hbm>>, %arg7: memref<16384x128xf32, #tpu.memory_space<hbm>>, %arg8: memref<8x128xi32, #tpu.memory_space<vmem>>, %arg9: memref<4x128xi32, #tpu.memory_space<vmem>>, %arg10: memref<256x128xf32, #tpu.memory_space<vmem>>, %arg11: memref<256x128xf32, #tpu.memory_space<vmem>>, %arg12: memref<!tpu.dma_semaphore, #tpu.memory_space<semaphore_mem>>, %arg13: memref<!tpu.dma_semaphore, #tpu.memory_space<semaphore_mem>>) attributes {dimension_semantics = [#tpu.dimension_semantics<core_parallel>, #tpu.dimension_semantics<subcore_parallel>], iteration_bounds = array<i64: 2, 16>, scalar_prefetch = 0 : i64, scratch_operands = 6 : i64, tpu.core_type = #tpu.core_type<sc_vector_subcore>, window_params = [{transform_indices = #map}, {transform_indices = #map}, {transform_indices = #map1}, {transform_indices = #map1}, {transform_indices = #map}, {transform_indices = #map}]} {
    %mul3A = arith.constant 2 : i32
    %mul3A_0 = arith.muli %arg1, %mul3A : i32
    %add3A = arith.addi %mul3A_0, %arg0 : i32
    "tpu.region"() ({
      %run_scoped3A = tpu.sem_alloc : memref<!tpu.dma_semaphore, #tpu.memory_space<semaphore_mem>>
      %dma_start3A_311 = arith.constant 0 : i32
      %dma_start3A_312 = arith.constant 0 : i32
      %dma_start3A_313 = tpu.memref_slice %arg4[%add3A, %dma_start3A_311, %dma_start3A_312] : memref<32x8x128xi32, #tpu.memory_space<hbm>> -> memref<1x8x128xi32, #tpu.memory_space<hbm>>
      %dma_start3A_314 = tpu.memref_squeeze %dma_start3A_313 : memref<1x8x128xi32, #tpu.memory_space<hbm>> -> memref<8x128xi32, #tpu.memory_space<hbm>>
      %dma_start3A_315 = arith.constant 0 : i32
      %dma_start3A_316 = arith.constant 0 : i32
      %dma_start3A_317 = tpu.memref_slice %arg4[%add3A, %dma_start3A_315, %dma_start3A_316] : memref<32x8x128xi32, #tpu.memory_space<hbm>> -> memref<1x8x128xi32, #tpu.memory_space<hbm>>
      %dma_start3A_318 = tpu.memref_squeeze %dma_start3A_317 : memref<1x8x128xi32, #tpu.memory_space<hbm>> -> memref<8x128xi32, #tpu.memory_space<hbm>>
      tpu.enqueue_dma source(%dma_start3A_318 : memref<8x128xi32, #tpu.memory_space<hbm>>) target(%arg8 : memref<8x128xi32, #tpu.memory_space<vmem>>) target_semaphore(%run_scoped3A : memref<!tpu.dma_semaphore, #tpu.memory_space<semaphore_mem>>)
      %dma_wait3A_319 = arith.constant 0 : i32
      %dma_wait3A_320 = arith.constant 0 : i32
      %dma_wait3A_321 = tpu.memref_slice %arg4[%add3A, %dma_wait3A_319, %dma_wait3A_320] : memref<32x8x128xi32, #tpu.memory_space<hbm>> -> memref<1x8x128xi32, #tpu.memory_space<hbm>>
      %dma_wait3A_322 = tpu.memref_squeeze %dma_wait3A_321 : memref<1x8x128xi32, #tpu.memory_space<hbm>> -> memref<8x128xi32, #tpu.memory_space<hbm>>
      %dma_wait3A_323 = arith.constant 0 : i32
      %dma_wait3A_324 = arith.constant 0 : i32
      %dma_wait3A_325 = tpu.memref_slice %arg4[%add3A, %dma_wait3A_323, %dma_wait3A_324] : memref<32x8x128xi32, #tpu.memory_space<hbm>> -> memref<1x8x128xi32, #tpu.memory_space<hbm>>
      %dma_wait3A_326 = tpu.memref_squeeze %dma_wait3A_325 : memref<1x8x128xi32, #tpu.memory_space<hbm>> -> memref<8x128xi32, #tpu.memory_space<hbm>>
      tpu.wait_dma2 semaphore(%run_scoped3A : memref<!tpu.dma_semaphore, #tpu.memory_space<semaphore_mem>>) src(%dma_wait3A_326 : memref<8x128xi32, #tpu.memory_space<hbm>>) dst(%arg8 : memref<8x128xi32, #tpu.memory_space<vmem>>)
      tpu.yield
    }) : () -> ()
    "tpu.region"() ({
      %run_scoped3A = tpu.sem_alloc : memref<!tpu.dma_semaphore, #tpu.memory_space<semaphore_mem>>
      %dma_start3A_311 = arith.constant 0 : i32
      %dma_start3A_312 = arith.constant 0 : i32
      %dma_start3A_313 = tpu.memref_slice %arg5[%add3A, %dma_start3A_311, %dma_start3A_312] : memref<32x4x128xi32, #tpu.memory_space<hbm>> -> memref<1x4x128xi32, #tpu.memory_space<hbm>>
      %dma_start3A_314 = tpu.memref_squeeze %dma_start3A_313 : memref<1x4x128xi32, #tpu.memory_space<hbm>> -> memref<4x128xi32, #tpu.memory_space<hbm>>
      %dma_start3A_315 = arith.constant 0 : i32
      %dma_start3A_316 = arith.constant 0 : i32
      %dma_start3A_317 = tpu.memref_slice %arg5[%add3A, %dma_start3A_315, %dma_start3A_316] : memref<32x4x128xi32, #tpu.memory_space<hbm>> -> memref<1x4x128xi32, #tpu.memory_space<hbm>>
      %dma_start3A_318 = tpu.memref_squeeze %dma_start3A_317 : memref<1x4x128xi32, #tpu.memory_space<hbm>> -> memref<4x128xi32, #tpu.memory_space<hbm>>
      tpu.enqueue_dma source(%dma_start3A_318 : memref<4x128xi32, #tpu.memory_space<hbm>>) target(%arg9 : memref<4x128xi32, #tpu.memory_space<vmem>>) target_semaphore(%run_scoped3A : memref<!tpu.dma_semaphore, #tpu.memory_space<semaphore_mem>>)
      %dma_wait3A_319 = arith.constant 0 : i32
      %dma_wait3A_320 = arith.constant 0 : i32
      %dma_wait3A_321 = tpu.memref_slice %arg5[%add3A, %dma_wait3A_319, %dma_wait3A_320] : memref<32x4x128xi32, #tpu.memory_space<hbm>> -> memref<1x4x128xi32, #tpu.memory_space<hbm>>
      %dma_wait3A_322 = tpu.memref_squeeze %dma_wait3A_321 : memref<1x4x128xi32, #tpu.memory_space<hbm>> -> memref<4x128xi32, #tpu.memory_space<hbm>>
      %dma_wait3A_323 = arith.constant 0 : i32
      %dma_wait3A_324 = arith.constant 0 : i32
      %dma_wait3A_325 = tpu.memref_slice %arg5[%add3A, %dma_wait3A_323, %dma_wait3A_324] : memref<32x4x128xi32, #tpu.memory_space<hbm>> -> memref<1x4x128xi32, #tpu.memory_space<hbm>>
      %dma_wait3A_326 = tpu.memref_squeeze %dma_wait3A_325 : memref<1x4x128xi32, #tpu.memory_space<hbm>> -> memref<4x128xi32, #tpu.memory_space<hbm>>
      tpu.wait_dma2 semaphore(%run_scoped3A : memref<!tpu.dma_semaphore, #tpu.memory_space<semaphore_mem>>) src(%dma_wait3A_326 : memref<4x128xi32, #tpu.memory_space<hbm>>) dst(%arg9 : memref<4x128xi32, #tpu.memory_space<vmem>>)
      tpu.yield
    }) : () -> ()
    %dma_start3A = arith.constant 0 : i32
    %dma_start3A_1 = arith.constant 0 : i32
    %dma_start3A_2 = arith.constant 0 : i32
    %dma_start3A_3 = tpu.memref_slice %arg10[%dma_start3A_1, %dma_start3A_2] : memref<256x128xf32, #tpu.memory_space<vmem>> -> memref<128x128xf32, #tpu.memory_space<vmem>>
    %dma_start3A_4 = arith.constant 0 : i32
    %dma_start3A_5 = tpu.memref_slice %arg8[%dma_start3A, %dma_start3A_4] : memref<8x128xi32, #tpu.memory_space<vmem>> -> memref<1x128xi32, #tpu.memory_space<vmem>>
    %dma_start3A_6 = tpu.memref_squeeze %dma_start3A_5 : memref<1x128xi32, #tpu.memory_space<vmem>> -> memref<128xi32, #tpu.memory_space<vmem>>
    %dma_start3A_7 = arith.constant 0 : i32
    %dma_start3A_8 = arith.constant 0 : i32
    %dma_start3A_9 = tpu.memref_slice %arg2[%dma_start3A_7, %dma_start3A_8] : memref<100000x128xf32, #tpu.memory_space<hbm>> -> memref<100000x128xf32, #tpu.memory_space<hbm>>
    tpu.enqueue_indirect_dma source(%dma_start3A_9 : memref<100000x128xf32, #tpu.memory_space<hbm>>) target(%dma_start3A_3 : memref<128x128xf32, #tpu.memory_space<vmem>>) offsets(%dma_start3A_6 : memref<128xi32, #tpu.memory_space<vmem>>) semaphore(%arg12 : memref<!tpu.dma_semaphore, #tpu.memory_space<semaphore_mem>>)
    %dma_start3A_10 = arith.constant 1 : i32
    %dma_start3A_11 = arith.constant 128 : i32
    %dma_start3A_12 = arith.constant 0 : i32
    %dma_start3A_13 = tpu.memref_slice %arg10[%dma_start3A_11, %dma_start3A_12] : memref<256x128xf32, #tpu.memory_space<vmem>> -> memref<128x128xf32, #tpu.memory_space<vmem>>
    %dma_start3A_14 = arith.constant 0 : i32
    %dma_start3A_15 = tpu.memref_slice %arg8[%dma_start3A_10, %dma_start3A_14] : memref<8x128xi32, #tpu.memory_space<vmem>> -> memref<1x128xi32, #tpu.memory_space<vmem>>
    %dma_start3A_16 = tpu.memref_squeeze %dma_start3A_15 : memref<1x128xi32, #tpu.memory_space<vmem>> -> memref<128xi32, #tpu.memory_space<vmem>>
    %dma_start3A_17 = arith.constant 0 : i32
    %dma_start3A_18 = arith.constant 0 : i32
    %dma_start3A_19 = tpu.memref_slice %arg2[%dma_start3A_17, %dma_start3A_18] : memref<100000x128xf32, #tpu.memory_space<hbm>> -> memref<100000x128xf32, #tpu.memory_space<hbm>>
    tpu.enqueue_indirect_dma source(%dma_start3A_19 : memref<100000x128xf32, #tpu.memory_space<hbm>>) target(%dma_start3A_13 : memref<128x128xf32, #tpu.memory_space<vmem>>) offsets(%dma_start3A_16 : memref<128xi32, #tpu.memory_space<vmem>>) semaphore(%arg12 : memref<!tpu.dma_semaphore, #tpu.memory_space<semaphore_mem>>)
    %mul3A_20 = arith.constant 1024 : i32
    %mul3A_21 = arith.muli %add3A, %mul3A_20 : i32
    %add3A_22 = arith.constant 0 : i32
    %add3A_23 = arith.addi %mul3A_21, %add3A_22 : i32
    %dma_wait3A = arith.constant 0 : i32
    %dma_wait3A_24 = arith.constant 0 : i32
    %dma_wait3A_25 = arith.constant 0 : i32
    %dma_wait3A_26 = tpu.memref_slice %arg10[%dma_wait3A_24, %dma_wait3A_25] : memref<256x128xf32, #tpu.memory_space<vmem>> -> memref<128x128xf32, #tpu.memory_space<vmem>>
    %dma_wait3A_27 = arith.constant 0 : i32
    %dma_wait3A_28 = tpu.memref_slice %arg8[%dma_wait3A, %dma_wait3A_27] : memref<8x128xi32, #tpu.memory_space<vmem>> -> memref<1x128xi32, #tpu.memory_space<vmem>>
    %dma_wait3A_29 = tpu.memref_squeeze %dma_wait3A_28 : memref<1x128xi32, #tpu.memory_space<vmem>> -> memref<128xi32, #tpu.memory_space<vmem>>
    %dma_wait3A_30 = arith.constant 0 : i32
    %dma_wait3A_31 = arith.constant 0 : i32
    %dma_wait3A_32 = tpu.memref_slice %arg2[%dma_wait3A_30, %dma_wait3A_31] : memref<100000x128xf32, #tpu.memory_space<hbm>> -> memref<100000x128xf32, #tpu.memory_space<hbm>>
    tpu.wait_indirect_dma semaphore(%arg12 : memref<!tpu.dma_semaphore, #tpu.memory_space<semaphore_mem>>) src(%dma_wait3A_32 : memref<100000x128xf32, #tpu.memory_space<hbm>>) dst(%dma_wait3A_26 : memref<128x128xf32, #tpu.memory_space<vmem>>)
    %dma_wait3A_33 = arith.constant 1 : i32
    %dma_wait3A_34 = arith.constant 128 : i32
    %dma_wait3A_35 = arith.constant 0 : i32
    %dma_wait3A_36 = tpu.memref_slice %arg10[%dma_wait3A_34, %dma_wait3A_35] : memref<256x128xf32, #tpu.memory_space<vmem>> -> memref<128x128xf32, #tpu.memory_space<vmem>>
    %dma_wait3A_37 = arith.constant 0 : i32
    %dma_wait3A_38 = tpu.memref_slice %arg8[%dma_wait3A_33, %dma_wait3A_37] : memref<8x128xi32, #tpu.memory_space<vmem>> -> memref<1x128xi32, #tpu.memory_space<vmem>>
    %dma_wait3A_39 = tpu.memref_squeeze %dma_wait3A_38 : memref<1x128xi32, #tpu.memory_space<vmem>> -> memref<128xi32, #tpu.memory_space<vmem>>
    %dma_wait3A_40 = arith.constant 0 : i32
    %dma_wait3A_41 = arith.constant 0 : i32
    %dma_wait3A_42 = tpu.memref_slice %arg2[%dma_wait3A_40, %dma_wait3A_41] : memref<100000x128xf32, #tpu.memory_space<hbm>> -> memref<100000x128xf32, #tpu.memory_space<hbm>>
    tpu.wait_indirect_dma semaphore(%arg12 : memref<!tpu.dma_semaphore, #tpu.memory_space<semaphore_mem>>) src(%dma_wait3A_42 : memref<100000x128xf32, #tpu.memory_space<hbm>>) dst(%dma_wait3A_36 : memref<128x128xf32, #tpu.memory_space<vmem>>)
    %dma_start3A_43 = arith.constant 0 : i32
    %dma_start3A_44 = tpu.memref_slice %arg6[%add3A_23, %dma_start3A_43] : memref<32768x128xf32, #tpu.memory_space<hbm>> -> memref<256x128xf32, #tpu.memory_space<hbm>>
    %dma_start3A_45 = arith.constant 0 : i32
    %dma_start3A_46 = tpu.memref_slice %arg6[%add3A_23, %dma_start3A_45] : memref<32768x128xf32, #tpu.memory_space<hbm>> -> memref<256x128xf32, #tpu.memory_space<hbm>>
    tpu.enqueue_dma source(%arg10 : memref<256x128xf32, #tpu.memory_space<vmem>>) target(%dma_start3A_46 : memref<256x128xf32, #tpu.memory_space<hbm>>) target_semaphore(%arg13 : memref<!tpu.dma_semaphore, #tpu.memory_space<semaphore_mem>>)
    %dma_start3A_47 = arith.constant 2 : i32
    %dma_start3A_48 = arith.constant 0 : i32
    %dma_start3A_49 = arith.constant 0 : i32
    %dma_start3A_50 = tpu.memref_slice %arg11[%dma_start3A_48, %dma_start3A_49] : memref<256x128xf32, #tpu.memory_space<vmem>> -> memref<128x128xf32, #tpu.memory_space<vmem>>
    %dma_start3A_51 = arith.constant 0 : i32
    %dma_start3A_52 = tpu.memref_slice %arg8[%dma_start3A_47, %dma_start3A_51] : memref<8x128xi32, #tpu.memory_space<vmem>> -> memref<1x128xi32, #tpu.memory_space<vmem>>
    %dma_start3A_53 = tpu.memref_squeeze %dma_start3A_52 : memref<1x128xi32, #tpu.memory_space<vmem>> -> memref<128xi32, #tpu.memory_space<vmem>>
    %dma_start3A_54 = arith.constant 0 : i32
    %dma_start3A_55 = arith.constant 0 : i32
    %dma_start3A_56 = tpu.memref_slice %arg2[%dma_start3A_54, %dma_start3A_55] : memref<100000x128xf32, #tpu.memory_space<hbm>> -> memref<100000x128xf32, #tpu.memory_space<hbm>>
    tpu.enqueue_indirect_dma source(%dma_start3A_56 : memref<100000x128xf32, #tpu.memory_space<hbm>>) target(%dma_start3A_50 : memref<128x128xf32, #tpu.memory_space<vmem>>) offsets(%dma_start3A_53 : memref<128xi32, #tpu.memory_space<vmem>>) semaphore(%arg12 : memref<!tpu.dma_semaphore, #tpu.memory_space<semaphore_mem>>)
    %dma_start3A_57 = arith.constant 3 : i32
    %dma_start3A_58 = arith.constant 128 : i32
    %dma_start3A_59 = arith.constant 0 : i32
    %dma_start3A_60 = tpu.memref_slice %arg11[%dma_start3A_58, %dma_start3A_59] : memref<256x128xf32, #tpu.memory_space<vmem>> -> memref<128x128xf32, #tpu.memory_space<vmem>>
    %dma_start3A_61 = arith.constant 0 : i32
    %dma_start3A_62 = tpu.memref_slice %arg8[%dma_start3A_57, %dma_start3A_61] : memref<8x128xi32, #tpu.memory_space<vmem>> -> memref<1x128xi32, #tpu.memory_space<vmem>>
    %dma_start3A_63 = tpu.memref_squeeze %dma_start3A_62 : memref<1x128xi32, #tpu.memory_space<vmem>> -> memref<128xi32, #tpu.memory_space<vmem>>
    %dma_start3A_64 = arith.constant 0 : i32
    %dma_start3A_65 = arith.constant 0 : i32
    %dma_start3A_66 = tpu.memref_slice %arg2[%dma_start3A_64, %dma_start3A_65] : memref<100000x128xf32, #tpu.memory_space<hbm>> -> memref<100000x128xf32, #tpu.memory_space<hbm>>
    tpu.enqueue_indirect_dma source(%dma_start3A_66 : memref<100000x128xf32, #tpu.memory_space<hbm>>) target(%dma_start3A_60 : memref<128x128xf32, #tpu.memory_space<vmem>>) offsets(%dma_start3A_63 : memref<128xi32, #tpu.memory_space<vmem>>) semaphore(%arg12 : memref<!tpu.dma_semaphore, #tpu.memory_space<semaphore_mem>>)
    %mul3A_67 = arith.constant 1024 : i32
    %mul3A_68 = arith.muli %add3A, %mul3A_67 : i32
    %add3A_69 = arith.constant 256 : i32
    %add3A_70 = arith.addi %mul3A_68, %add3A_69 : i32
    %dma_wait3A_71 = arith.constant 2 : i32
    %dma_wait3A_72 = arith.constant 0 : i32
    %dma_wait3A_73 = arith.constant 0 : i32
    %dma_wait3A_74 = tpu.memref_slice %arg11[%dma_wait3A_72, %dma_wait3A_73] : memref<256x128xf32, #tpu.memory_space<vmem>> -> memref<128x128xf32, #tpu.memory_space<vmem>>
    %dma_wait3A_75 = arith.constant 0 : i32
    %dma_wait3A_76 = tpu.memref_slice %arg8[%dma_wait3A_71, %dma_wait3A_75] : memref<8x128xi32, #tpu.memory_space<vmem>> -> memref<1x128xi32, #tpu.memory_space<vmem>>
    %dma_wait3A_77 = tpu.memref_squeeze %dma_wait3A_76 : memref<1x128xi32, #tpu.memory_space<vmem>> -> memref<128xi32, #tpu.memory_space<vmem>>
    %dma_wait3A_78 = arith.constant 0 : i32
    %dma_wait3A_79 = arith.constant 0 : i32
    %dma_wait3A_80 = tpu.memref_slice %arg2[%dma_wait3A_78, %dma_wait3A_79] : memref<100000x128xf32, #tpu.memory_space<hbm>> -> memref<100000x128xf32, #tpu.memory_space<hbm>>
    tpu.wait_indirect_dma semaphore(%arg12 : memref<!tpu.dma_semaphore, #tpu.memory_space<semaphore_mem>>) src(%dma_wait3A_80 : memref<100000x128xf32, #tpu.memory_space<hbm>>) dst(%dma_wait3A_74 : memref<128x128xf32, #tpu.memory_space<vmem>>)
    %dma_wait3A_81 = arith.constant 3 : i32
    %dma_wait3A_82 = arith.constant 128 : i32
    %dma_wait3A_83 = arith.constant 0 : i32
    %dma_wait3A_84 = tpu.memref_slice %arg11[%dma_wait3A_82, %dma_wait3A_83] : memref<256x128xf32, #tpu.memory_space<vmem>> -> memref<128x128xf32, #tpu.memory_space<vmem>>
    %dma_wait3A_85 = arith.constant 0 : i32
    %dma_wait3A_86 = tpu.memref_slice %arg8[%dma_wait3A_81, %dma_wait3A_85] : memref<8x128xi32, #tpu.memory_space<vmem>> -> memref<1x128xi32, #tpu.memory_space<vmem>>
    %dma_wait3A_87 = tpu.memref_squeeze %dma_wait3A_86 : memref<1x128xi32, #tpu.memory_space<vmem>> -> memref<128xi32, #tpu.memory_space<vmem>>
    %dma_wait3A_88 = arith.constant 0 : i32
    %dma_wait3A_89 = arith.constant 0 : i32
    %dma_wait3A_90 = tpu.memref_slice %arg2[%dma_wait3A_88, %dma_wait3A_89] : memref<100000x128xf32, #tpu.memory_space<hbm>> -> memref<100000x128xf32, #tpu.memory_space<hbm>>
    tpu.wait_indirect_dma semaphore(%arg12 : memref<!tpu.dma_semaphore, #tpu.memory_space<semaphore_mem>>) src(%dma_wait3A_90 : memref<100000x128xf32, #tpu.memory_space<hbm>>) dst(%dma_wait3A_84 : memref<128x128xf32, #tpu.memory_space<vmem>>)
    %dma_start3A_91 = arith.constant 0 : i32
    %dma_start3A_92 = tpu.memref_slice %arg6[%add3A_70, %dma_start3A_91] : memref<32768x128xf32, #tpu.memory_space<hbm>> -> memref<256x128xf32, #tpu.memory_space<hbm>>
    %dma_start3A_93 = arith.constant 0 : i32
    %dma_start3A_94 = tpu.memref_slice %arg6[%add3A_70, %dma_start3A_93] : memref<32768x128xf32, #tpu.memory_space<hbm>> -> memref<256x128xf32, #tpu.memory_space<hbm>>
    tpu.enqueue_dma source(%arg11 : memref<256x128xf32, #tpu.memory_space<vmem>>) target(%dma_start3A_94 : memref<256x128xf32, #tpu.memory_space<hbm>>) target_semaphore(%arg13 : memref<!tpu.dma_semaphore, #tpu.memory_space<semaphore_mem>>)
    %dma_wait3A_95 = arith.constant 0 : i32
    %dma_wait3A_96 = tpu.memref_slice %arg6[%add3A_23, %dma_wait3A_95] : memref<32768x128xf32, #tpu.memory_space<hbm>> -> memref<256x128xf32, #tpu.memory_space<hbm>>
    %dma_wait3A_97 = arith.constant 0 : i32
    %dma_wait3A_98 = tpu.memref_slice %arg6[%add3A_23, %dma_wait3A_97] : memref<32768x128xf32, #tpu.memory_space<hbm>> -> memref<256x128xf32, #tpu.memory_space<hbm>>
    tpu.wait_dma2 semaphore(%arg13 : memref<!tpu.dma_semaphore, #tpu.memory_space<semaphore_mem>>) src(%arg10 : memref<256x128xf32, #tpu.memory_space<vmem>>) dst(%dma_wait3A_98 : memref<256x128xf32, #tpu.memory_space<hbm>>)
    %dma_start3A_99 = arith.constant 4 : i32
    %dma_start3A_100 = arith.constant 0 : i32
    %dma_start3A_101 = arith.constant 0 : i32
    %dma_start3A_102 = tpu.memref_slice %arg10[%dma_start3A_100, %dma_start3A_101] : memref<256x128xf32, #tpu.memory_space<vmem>> -> memref<128x128xf32, #tpu.memory_space<vmem>>
    %dma_start3A_103 = arith.constant 0 : i32
    %dma_start3A_104 = tpu.memref_slice %arg8[%dma_start3A_99, %dma_start3A_103] : memref<8x128xi32, #tpu.memory_space<vmem>> -> memref<1x128xi32, #tpu.memory_space<vmem>>
    %dma_start3A_105 = tpu.memref_squeeze %dma_start3A_104 : memref<1x128xi32, #tpu.memory_space<vmem>> -> memref<128xi32, #tpu.memory_space<vmem>>
    %dma_start3A_106 = arith.constant 0 : i32
    %dma_start3A_107 = arith.constant 0 : i32
    %dma_start3A_108 = tpu.memref_slice %arg2[%dma_start3A_106, %dma_start3A_107] : memref<100000x128xf32, #tpu.memory_space<hbm>> -> memref<100000x128xf32, #tpu.memory_space<hbm>>
    tpu.enqueue_indirect_dma source(%dma_start3A_108 : memref<100000x128xf32, #tpu.memory_space<hbm>>) target(%dma_start3A_102 : memref<128x128xf32, #tpu.memory_space<vmem>>) offsets(%dma_start3A_105 : memref<128xi32, #tpu.memory_space<vmem>>) semaphore(%arg12 : memref<!tpu.dma_semaphore, #tpu.memory_space<semaphore_mem>>)
    %dma_start3A_109 = arith.constant 5 : i32
    %dma_start3A_110 = arith.constant 128 : i32
    %dma_start3A_111 = arith.constant 0 : i32
    %dma_start3A_112 = tpu.memref_slice %arg10[%dma_start3A_110, %dma_start3A_111] : memref<256x128xf32, #tpu.memory_space<vmem>> -> memref<128x128xf32, #tpu.memory_space<vmem>>
    %dma_start3A_113 = arith.constant 0 : i32
    %dma_start3A_114 = tpu.memref_slice %arg8[%dma_start3A_109, %dma_start3A_113] : memref<8x128xi32, #tpu.memory_space<vmem>> -> memref<1x128xi32, #tpu.memory_space<vmem>>
    %dma_start3A_115 = tpu.memref_squeeze %dma_start3A_114 : memref<1x128xi32, #tpu.memory_space<vmem>> -> memref<128xi32, #tpu.memory_space<vmem>>
    %dma_start3A_116 = arith.constant 0 : i32
    %dma_start3A_117 = arith.constant 0 : i32
    %dma_start3A_118 = tpu.memref_slice %arg2[%dma_start3A_116, %dma_start3A_117] : memref<100000x128xf32, #tpu.memory_space<hbm>> -> memref<100000x128xf32, #tpu.memory_space<hbm>>
    tpu.enqueue_indirect_dma source(%dma_start3A_118 : memref<100000x128xf32, #tpu.memory_space<hbm>>) target(%dma_start3A_112 : memref<128x128xf32, #tpu.memory_space<vmem>>) offsets(%dma_start3A_115 : memref<128xi32, #tpu.memory_space<vmem>>) semaphore(%arg12 : memref<!tpu.dma_semaphore, #tpu.memory_space<semaphore_mem>>)
    %mul3A_119 = arith.constant 1024 : i32
    %mul3A_120 = arith.muli %add3A, %mul3A_119 : i32
    %add3A_121 = arith.constant 512 : i32
    %add3A_122 = arith.addi %mul3A_120, %add3A_121 : i32
    %dma_wait3A_123 = arith.constant 4 : i32
    %dma_wait3A_124 = arith.constant 0 : i32
    %dma_wait3A_125 = arith.constant 0 : i32
    %dma_wait3A_126 = tpu.memref_slice %arg10[%dma_wait3A_124, %dma_wait3A_125] : memref<256x128xf32, #tpu.memory_space<vmem>> -> memref<128x128xf32, #tpu.memory_space<vmem>>
    %dma_wait3A_127 = arith.constant 0 : i32
    %dma_wait3A_128 = tpu.memref_slice %arg8[%dma_wait3A_123, %dma_wait3A_127] : memref<8x128xi32, #tpu.memory_space<vmem>> -> memref<1x128xi32, #tpu.memory_space<vmem>>
    %dma_wait3A_129 = tpu.memref_squeeze %dma_wait3A_128 : memref<1x128xi32, #tpu.memory_space<vmem>> -> memref<128xi32, #tpu.memory_space<vmem>>
    %dma_wait3A_130 = arith.constant 0 : i32
    %dma_wait3A_131 = arith.constant 0 : i32
    %dma_wait3A_132 = tpu.memref_slice %arg2[%dma_wait3A_130, %dma_wait3A_131] : memref<100000x128xf32, #tpu.memory_space<hbm>> -> memref<100000x128xf32, #tpu.memory_space<hbm>>
    tpu.wait_indirect_dma semaphore(%arg12 : memref<!tpu.dma_semaphore, #tpu.memory_space<semaphore_mem>>) src(%dma_wait3A_132 : memref<100000x128xf32, #tpu.memory_space<hbm>>) dst(%dma_wait3A_126 : memref<128x128xf32, #tpu.memory_space<vmem>>)
    %dma_wait3A_133 = arith.constant 5 : i32
    %dma_wait3A_134 = arith.constant 128 : i32
    %dma_wait3A_135 = arith.constant 0 : i32
    %dma_wait3A_136 = tpu.memref_slice %arg10[%dma_wait3A_134, %dma_wait3A_135] : memref<256x128xf32, #tpu.memory_space<vmem>> -> memref<128x128xf32, #tpu.memory_space<vmem>>
    %dma_wait3A_137 = arith.constant 0 : i32
    %dma_wait3A_138 = tpu.memref_slice %arg8[%dma_wait3A_133, %dma_wait3A_137] : memref<8x128xi32, #tpu.memory_space<vmem>> -> memref<1x128xi32, #tpu.memory_space<vmem>>
    %dma_wait3A_139 = tpu.memref_squeeze %dma_wait3A_138 : memref<1x128xi32, #tpu.memory_space<vmem>> -> memref<128xi32, #tpu.memory_space<vmem>>
    %dma_wait3A_140 = arith.constant 0 : i32
    %dma_wait3A_141 = arith.constant 0 : i32
    %dma_wait3A_142 = tpu.memref_slice %arg2[%dma_wait3A_140, %dma_wait3A_141] : memref<100000x128xf32, #tpu.memory_space<hbm>> -> memref<100000x128xf32, #tpu.memory_space<hbm>>
    tpu.wait_indirect_dma semaphore(%arg12 : memref<!tpu.dma_semaphore, #tpu.memory_space<semaphore_mem>>) src(%dma_wait3A_142 : memref<100000x128xf32, #tpu.memory_space<hbm>>) dst(%dma_wait3A_136 : memref<128x128xf32, #tpu.memory_space<vmem>>)
    %dma_start3A_143 = arith.constant 0 : i32
    %dma_start3A_144 = tpu.memref_slice %arg6[%add3A_122, %dma_start3A_143] : memref<32768x128xf32, #tpu.memory_space<hbm>> -> memref<256x128xf32, #tpu.memory_space<hbm>>
    %dma_start3A_145 = arith.constant 0 : i32
    %dma_start3A_146 = tpu.memref_slice %arg6[%add3A_122, %dma_start3A_145] : memref<32768x128xf32, #tpu.memory_space<hbm>> -> memref<256x128xf32, #tpu.memory_space<hbm>>
    tpu.enqueue_dma source(%arg10 : memref<256x128xf32, #tpu.memory_space<vmem>>) target(%dma_start3A_146 : memref<256x128xf32, #tpu.memory_space<hbm>>) target_semaphore(%arg13 : memref<!tpu.dma_semaphore, #tpu.memory_space<semaphore_mem>>)
    %dma_wait3A_147 = arith.constant 0 : i32
    %dma_wait3A_148 = tpu.memref_slice %arg6[%add3A_70, %dma_wait3A_147] : memref<32768x128xf32, #tpu.memory_space<hbm>> -> memref<256x128xf32, #tpu.memory_space<hbm>>
    %dma_wait3A_149 = arith.constant 0 : i32
    %dma_wait3A_150 = tpu.memref_slice %arg6[%add3A_70, %dma_wait3A_149] : memref<32768x128xf32, #tpu.memory_space<hbm>> -> memref<256x128xf32, #tpu.memory_space<hbm>>
    tpu.wait_dma2 semaphore(%arg13 : memref<!tpu.dma_semaphore, #tpu.memory_space<semaphore_mem>>) src(%arg11 : memref<256x128xf32, #tpu.memory_space<vmem>>) dst(%dma_wait3A_150 : memref<256x128xf32, #tpu.memory_space<hbm>>)
    %dma_start3A_151 = arith.constant 6 : i32
    %dma_start3A_152 = arith.constant 0 : i32
    %dma_start3A_153 = arith.constant 0 : i32
    %dma_start3A_154 = tpu.memref_slice %arg11[%dma_start3A_152, %dma_start3A_153] : memref<256x128xf32, #tpu.memory_space<vmem>> -> memref<128x128xf32, #tpu.memory_space<vmem>>
    %dma_start3A_155 = arith.constant 0 : i32
    %dma_start3A_156 = tpu.memref_slice %arg8[%dma_start3A_151, %dma_start3A_155] : memref<8x128xi32, #tpu.memory_space<vmem>> -> memref<1x128xi32, #tpu.memory_space<vmem>>
    %dma_start3A_157 = tpu.memref_squeeze %dma_start3A_156 : memref<1x128xi32, #tpu.memory_space<vmem>> -> memref<128xi32, #tpu.memory_space<vmem>>
    %dma_start3A_158 = arith.constant 0 : i32
    %dma_start3A_159 = arith.constant 0 : i32
    %dma_start3A_160 = tpu.memref_slice %arg2[%dma_start3A_158, %dma_start3A_159] : memref<100000x128xf32, #tpu.memory_space<hbm>> -> memref<100000x128xf32, #tpu.memory_space<hbm>>
    tpu.enqueue_indirect_dma source(%dma_start3A_160 : memref<100000x128xf32, #tpu.memory_space<hbm>>) target(%dma_start3A_154 : memref<128x128xf32, #tpu.memory_space<vmem>>) offsets(%dma_start3A_157 : memref<128xi32, #tpu.memory_space<vmem>>) semaphore(%arg12 : memref<!tpu.dma_semaphore, #tpu.memory_space<semaphore_mem>>)
    %dma_start3A_161 = arith.constant 7 : i32
    %dma_start3A_162 = arith.constant 128 : i32
    %dma_start3A_163 = arith.constant 0 : i32
    %dma_start3A_164 = tpu.memref_slice %arg11[%dma_start3A_162, %dma_start3A_163] : memref<256x128xf32, #tpu.memory_space<vmem>> -> memref<128x128xf32, #tpu.memory_space<vmem>>
    %dma_start3A_165 = arith.constant 0 : i32
    %dma_start3A_166 = tpu.memref_slice %arg8[%dma_start3A_161, %dma_start3A_165] : memref<8x128xi32, #tpu.memory_space<vmem>> -> memref<1x128xi32, #tpu.memory_space<vmem>>
    %dma_start3A_167 = tpu.memref_squeeze %dma_start3A_166 : memref<1x128xi32, #tpu.memory_space<vmem>> -> memref<128xi32, #tpu.memory_space<vmem>>
    %dma_start3A_168 = arith.constant 0 : i32
    %dma_start3A_169 = arith.constant 0 : i32
    %dma_start3A_170 = tpu.memref_slice %arg2[%dma_start3A_168, %dma_start3A_169] : memref<100000x128xf32, #tpu.memory_space<hbm>> -> memref<100000x128xf32, #tpu.memory_space<hbm>>
    tpu.enqueue_indirect_dma source(%dma_start3A_170 : memref<100000x128xf32, #tpu.memory_space<hbm>>) target(%dma_start3A_164 : memref<128x128xf32, #tpu.memory_space<vmem>>) offsets(%dma_start3A_167 : memref<128xi32, #tpu.memory_space<vmem>>) semaphore(%arg12 : memref<!tpu.dma_semaphore, #tpu.memory_space<semaphore_mem>>)
    %mul3A_171 = arith.constant 1024 : i32
    %mul3A_172 = arith.muli %add3A, %mul3A_171 : i32
    %add3A_173 = arith.constant 768 : i32
    %add3A_174 = arith.addi %mul3A_172, %add3A_173 : i32
    %dma_wait3A_175 = arith.constant 6 : i32
    %dma_wait3A_176 = arith.constant 0 : i32
    %dma_wait3A_177 = arith.constant 0 : i32
    %dma_wait3A_178 = tpu.memref_slice %arg11[%dma_wait3A_176, %dma_wait3A_177] : memref<256x128xf32, #tpu.memory_space<vmem>> -> memref<128x128xf32, #tpu.memory_space<vmem>>
    %dma_wait3A_179 = arith.constant 0 : i32
    %dma_wait3A_180 = tpu.memref_slice %arg8[%dma_wait3A_175, %dma_wait3A_179] : memref<8x128xi32, #tpu.memory_space<vmem>> -> memref<1x128xi32, #tpu.memory_space<vmem>>
    %dma_wait3A_181 = tpu.memref_squeeze %dma_wait3A_180 : memref<1x128xi32, #tpu.memory_space<vmem>> -> memref<128xi32, #tpu.memory_space<vmem>>
    %dma_wait3A_182 = arith.constant 0 : i32
    %dma_wait3A_183 = arith.constant 0 : i32
    %dma_wait3A_184 = tpu.memref_slice %arg2[%dma_wait3A_182, %dma_wait3A_183] : memref<100000x128xf32, #tpu.memory_space<hbm>> -> memref<100000x128xf32, #tpu.memory_space<hbm>>
    tpu.wait_indirect_dma semaphore(%arg12 : memref<!tpu.dma_semaphore, #tpu.memory_space<semaphore_mem>>) src(%dma_wait3A_184 : memref<100000x128xf32, #tpu.memory_space<hbm>>) dst(%dma_wait3A_178 : memref<128x128xf32, #tpu.memory_space<vmem>>)
    %dma_wait3A_185 = arith.constant 7 : i32
    %dma_wait3A_186 = arith.constant 128 : i32
    %dma_wait3A_187 = arith.constant 0 : i32
    %dma_wait3A_188 = tpu.memref_slice %arg11[%dma_wait3A_186, %dma_wait3A_187] : memref<256x128xf32, #tpu.memory_space<vmem>> -> memref<128x128xf32, #tpu.memory_space<vmem>>
    %dma_wait3A_189 = arith.constant 0 : i32
    %dma_wait3A_190 = tpu.memref_slice %arg8[%dma_wait3A_185, %dma_wait3A_189] : memref<8x128xi32, #tpu.memory_space<vmem>> -> memref<1x128xi32, #tpu.memory_space<vmem>>
    %dma_wait3A_191 = tpu.memref_squeeze %dma_wait3A_190 : memref<1x128xi32, #tpu.memory_space<vmem>> -> memref<128xi32, #tpu.memory_space<vmem>>
    %dma_wait3A_192 = arith.constant 0 : i32
    %dma_wait3A_193 = arith.constant 0 : i32
    %dma_wait3A_194 = tpu.memref_slice %arg2[%dma_wait3A_192, %dma_wait3A_193] : memref<100000x128xf32, #tpu.memory_space<hbm>> -> memref<100000x128xf32, #tpu.memory_space<hbm>>
    tpu.wait_indirect_dma semaphore(%arg12 : memref<!tpu.dma_semaphore, #tpu.memory_space<semaphore_mem>>) src(%dma_wait3A_194 : memref<100000x128xf32, #tpu.memory_space<hbm>>) dst(%dma_wait3A_188 : memref<128x128xf32, #tpu.memory_space<vmem>>)
    %dma_start3A_195 = arith.constant 0 : i32
    %dma_start3A_196 = tpu.memref_slice %arg6[%add3A_174, %dma_start3A_195] : memref<32768x128xf32, #tpu.memory_space<hbm>> -> memref<256x128xf32, #tpu.memory_space<hbm>>
    %dma_start3A_197 = arith.constant 0 : i32
    %dma_start3A_198 = tpu.memref_slice %arg6[%add3A_174, %dma_start3A_197] : memref<32768x128xf32, #tpu.memory_space<hbm>> -> memref<256x128xf32, #tpu.memory_space<hbm>>
    tpu.enqueue_dma source(%arg11 : memref<256x128xf32, #tpu.memory_space<vmem>>) target(%dma_start3A_198 : memref<256x128xf32, #tpu.memory_space<hbm>>) target_semaphore(%arg13 : memref<!tpu.dma_semaphore, #tpu.memory_space<semaphore_mem>>)
    %dma_wait3A_199 = arith.constant 0 : i32
    %dma_wait3A_200 = tpu.memref_slice %arg6[%add3A_122, %dma_wait3A_199] : memref<32768x128xf32, #tpu.memory_space<hbm>> -> memref<256x128xf32, #tpu.memory_space<hbm>>
    %dma_wait3A_201 = arith.constant 0 : i32
    %dma_wait3A_202 = tpu.memref_slice %arg6[%add3A_122, %dma_wait3A_201] : memref<32768x128xf32, #tpu.memory_space<hbm>> -> memref<256x128xf32, #tpu.memory_space<hbm>>
    tpu.wait_dma2 semaphore(%arg13 : memref<!tpu.dma_semaphore, #tpu.memory_space<semaphore_mem>>) src(%arg10 : memref<256x128xf32, #tpu.memory_space<vmem>>) dst(%dma_wait3A_202 : memref<256x128xf32, #tpu.memory_space<hbm>>)
    %dma_start3A_203 = arith.constant 0 : i32
    %dma_start3A_204 = arith.constant 0 : i32
    %dma_start3A_205 = arith.constant 0 : i32
    %dma_start3A_206 = tpu.memref_slice %arg10[%dma_start3A_204, %dma_start3A_205] : memref<256x128xf32, #tpu.memory_space<vmem>> -> memref<128x128xf32, #tpu.memory_space<vmem>>
    %dma_start3A_207 = arith.constant 0 : i32
    %dma_start3A_208 = tpu.memref_slice %arg9[%dma_start3A_203, %dma_start3A_207] : memref<4x128xi32, #tpu.memory_space<vmem>> -> memref<1x128xi32, #tpu.memory_space<vmem>>
    %dma_start3A_209 = tpu.memref_squeeze %dma_start3A_208 : memref<1x128xi32, #tpu.memory_space<vmem>> -> memref<128xi32, #tpu.memory_space<vmem>>
    %dma_start3A_210 = arith.constant 0 : i32
    %dma_start3A_211 = arith.constant 0 : i32
    %dma_start3A_212 = tpu.memref_slice %arg3[%dma_start3A_210, %dma_start3A_211] : memref<1000x128xf32, #tpu.memory_space<hbm>> -> memref<1000x128xf32, #tpu.memory_space<hbm>>
    tpu.enqueue_indirect_dma source(%dma_start3A_212 : memref<1000x128xf32, #tpu.memory_space<hbm>>) target(%dma_start3A_206 : memref<128x128xf32, #tpu.memory_space<vmem>>) offsets(%dma_start3A_209 : memref<128xi32, #tpu.memory_space<vmem>>) semaphore(%arg12 : memref<!tpu.dma_semaphore, #tpu.memory_space<semaphore_mem>>)
    %dma_start3A_213 = arith.constant 1 : i32
    %dma_start3A_214 = arith.constant 128 : i32
    %dma_start3A_215 = arith.constant 0 : i32
    %dma_start3A_216 = tpu.memref_slice %arg10[%dma_start3A_214, %dma_start3A_215] : memref<256x128xf32, #tpu.memory_space<vmem>> -> memref<128x128xf32, #tpu.memory_space<vmem>>
    %dma_start3A_217 = arith.constant 0 : i32
    %dma_start3A_218 = tpu.memref_slice %arg9[%dma_start3A_213, %dma_start3A_217] : memref<4x128xi32, #tpu.memory_space<vmem>> -> memref<1x128xi32, #tpu.memory_space<vmem>>
    %dma_start3A_219 = tpu.memref_squeeze %dma_start3A_218 : memref<1x128xi32, #tpu.memory_space<vmem>> -> memref<128xi32, #tpu.memory_space<vmem>>
    %dma_start3A_220 = arith.constant 0 : i32
    %dma_start3A_221 = arith.constant 0 : i32
    %dma_start3A_222 = tpu.memref_slice %arg3[%dma_start3A_220, %dma_start3A_221] : memref<1000x128xf32, #tpu.memory_space<hbm>> -> memref<1000x128xf32, #tpu.memory_space<hbm>>
    tpu.enqueue_indirect_dma source(%dma_start3A_222 : memref<1000x128xf32, #tpu.memory_space<hbm>>) target(%dma_start3A_216 : memref<128x128xf32, #tpu.memory_space<vmem>>) offsets(%dma_start3A_219 : memref<128xi32, #tpu.memory_space<vmem>>) semaphore(%arg12 : memref<!tpu.dma_semaphore, #tpu.memory_space<semaphore_mem>>)
    %mul3A_223 = arith.constant 512 : i32
    %mul3A_224 = arith.muli %add3A, %mul3A_223 : i32
    %add3A_225 = arith.constant 0 : i32
    %add3A_226 = arith.addi %mul3A_224, %add3A_225 : i32
    %dma_wait3A_227 = arith.constant 0 : i32
    %dma_wait3A_228 = arith.constant 0 : i32
    %dma_wait3A_229 = arith.constant 0 : i32
    %dma_wait3A_230 = tpu.memref_slice %arg10[%dma_wait3A_228, %dma_wait3A_229] : memref<256x128xf32, #tpu.memory_space<vmem>> -> memref<128x128xf32, #tpu.memory_space<vmem>>
    %dma_wait3A_231 = arith.constant 0 : i32
    %dma_wait3A_232 = tpu.memref_slice %arg9[%dma_wait3A_227, %dma_wait3A_231] : memref<4x128xi32, #tpu.memory_space<vmem>> -> memref<1x128xi32, #tpu.memory_space<vmem>>
    %dma_wait3A_233 = tpu.memref_squeeze %dma_wait3A_232 : memref<1x128xi32, #tpu.memory_space<vmem>> -> memref<128xi32, #tpu.memory_space<vmem>>
    %dma_wait3A_234 = arith.constant 0 : i32
    %dma_wait3A_235 = arith.constant 0 : i32
    %dma_wait3A_236 = tpu.memref_slice %arg3[%dma_wait3A_234, %dma_wait3A_235] : memref<1000x128xf32, #tpu.memory_space<hbm>> -> memref<1000x128xf32, #tpu.memory_space<hbm>>
    tpu.wait_indirect_dma semaphore(%arg12 : memref<!tpu.dma_semaphore, #tpu.memory_space<semaphore_mem>>) src(%dma_wait3A_236 : memref<1000x128xf32, #tpu.memory_space<hbm>>) dst(%dma_wait3A_230 : memref<128x128xf32, #tpu.memory_space<vmem>>)
    %dma_wait3A_237 = arith.constant 1 : i32
    %dma_wait3A_238 = arith.constant 128 : i32
    %dma_wait3A_239 = arith.constant 0 : i32
    %dma_wait3A_240 = tpu.memref_slice %arg10[%dma_wait3A_238, %dma_wait3A_239] : memref<256x128xf32, #tpu.memory_space<vmem>> -> memref<128x128xf32, #tpu.memory_space<vmem>>
    %dma_wait3A_241 = arith.constant 0 : i32
    %dma_wait3A_242 = tpu.memref_slice %arg9[%dma_wait3A_237, %dma_wait3A_241] : memref<4x128xi32, #tpu.memory_space<vmem>> -> memref<1x128xi32, #tpu.memory_space<vmem>>
    %dma_wait3A_243 = tpu.memref_squeeze %dma_wait3A_242 : memref<1x128xi32, #tpu.memory_space<vmem>> -> memref<128xi32, #tpu.memory_space<vmem>>
    %dma_wait3A_244 = arith.constant 0 : i32
    %dma_wait3A_245 = arith.constant 0 : i32
    %dma_wait3A_246 = tpu.memref_slice %arg3[%dma_wait3A_244, %dma_wait3A_245] : memref<1000x128xf32, #tpu.memory_space<hbm>> -> memref<1000x128xf32, #tpu.memory_space<hbm>>
    tpu.wait_indirect_dma semaphore(%arg12 : memref<!tpu.dma_semaphore, #tpu.memory_space<semaphore_mem>>) src(%dma_wait3A_246 : memref<1000x128xf32, #tpu.memory_space<hbm>>) dst(%dma_wait3A_240 : memref<128x128xf32, #tpu.memory_space<vmem>>)
    %dma_start3A_247 = arith.constant 0 : i32
    %dma_start3A_248 = tpu.memref_slice %arg7[%add3A_226, %dma_start3A_247] : memref<16384x128xf32, #tpu.memory_space<hbm>> -> memref<256x128xf32, #tpu.memory_space<hbm>>
    %dma_start3A_249 = arith.constant 0 : i32
    %dma_start3A_250 = tpu.memref_slice %arg7[%add3A_226, %dma_start3A_249] : memref<16384x128xf32, #tpu.memory_space<hbm>> -> memref<256x128xf32, #tpu.memory_space<hbm>>
    tpu.enqueue_dma source(%arg10 : memref<256x128xf32, #tpu.memory_space<vmem>>) target(%dma_start3A_250 : memref<256x128xf32, #tpu.memory_space<hbm>>) target_semaphore(%arg13 : memref<!tpu.dma_semaphore, #tpu.memory_space<semaphore_mem>>)
    %dma_wait3A_251 = arith.constant 0 : i32
    %dma_wait3A_252 = tpu.memref_slice %arg6[%add3A_174, %dma_wait3A_251] : memref<32768x128xf32, #tpu.memory_space<hbm>> -> memref<256x128xf32, #tpu.memory_space<hbm>>
    %dma_wait3A_253 = arith.constant 0 : i32
    %dma_wait3A_254 = tpu.memref_slice %arg6[%add3A_174, %dma_wait3A_253] : memref<32768x128xf32, #tpu.memory_space<hbm>> -> memref<256x128xf32, #tpu.memory_space<hbm>>
    tpu.wait_dma2 semaphore(%arg13 : memref<!tpu.dma_semaphore, #tpu.memory_space<semaphore_mem>>) src(%arg11 : memref<256x128xf32, #tpu.memory_space<vmem>>) dst(%dma_wait3A_254 : memref<256x128xf32, #tpu.memory_space<hbm>>)
    %dma_start3A_255 = arith.constant 2 : i32
    %dma_start3A_256 = arith.constant 0 : i32
    %dma_start3A_257 = arith.constant 0 : i32
    %dma_start3A_258 = tpu.memref_slice %arg11[%dma_start3A_256, %dma_start3A_257] : memref<256x128xf32, #tpu.memory_space<vmem>> -> memref<128x128xf32, #tpu.memory_space<vmem>>
    %dma_start3A_259 = arith.constant 0 : i32
    %dma_start3A_260 = tpu.memref_slice %arg9[%dma_start3A_255, %dma_start3A_259] : memref<4x128xi32, #tpu.memory_space<vmem>> -> memref<1x128xi32, #tpu.memory_space<vmem>>
    %dma_start3A_261 = tpu.memref_squeeze %dma_start3A_260 : memref<1x128xi32, #tpu.memory_space<vmem>> -> memref<128xi32, #tpu.memory_space<vmem>>
    %dma_start3A_262 = arith.constant 0 : i32
    %dma_start3A_263 = arith.constant 0 : i32
    %dma_start3A_264 = tpu.memref_slice %arg3[%dma_start3A_262, %dma_start3A_263] : memref<1000x128xf32, #tpu.memory_space<hbm>> -> memref<1000x128xf32, #tpu.memory_space<hbm>>
    tpu.enqueue_indirect_dma source(%dma_start3A_264 : memref<1000x128xf32, #tpu.memory_space<hbm>>) target(%dma_start3A_258 : memref<128x128xf32, #tpu.memory_space<vmem>>) offsets(%dma_start3A_261 : memref<128xi32, #tpu.memory_space<vmem>>) semaphore(%arg12 : memref<!tpu.dma_semaphore, #tpu.memory_space<semaphore_mem>>)
    %dma_start3A_265 = arith.constant 3 : i32
    %dma_start3A_266 = arith.constant 128 : i32
    %dma_start3A_267 = arith.constant 0 : i32
    %dma_start3A_268 = tpu.memref_slice %arg11[%dma_start3A_266, %dma_start3A_267] : memref<256x128xf32, #tpu.memory_space<vmem>> -> memref<128x128xf32, #tpu.memory_space<vmem>>
    %dma_start3A_269 = arith.constant 0 : i32
    %dma_start3A_270 = tpu.memref_slice %arg9[%dma_start3A_265, %dma_start3A_269] : memref<4x128xi32, #tpu.memory_space<vmem>> -> memref<1x128xi32, #tpu.memory_space<vmem>>
    %dma_start3A_271 = tpu.memref_squeeze %dma_start3A_270 : memref<1x128xi32, #tpu.memory_space<vmem>> -> memref<128xi32, #tpu.memory_space<vmem>>
    %dma_start3A_272 = arith.constant 0 : i32
    %dma_start3A_273 = arith.constant 0 : i32
    %dma_start3A_274 = tpu.memref_slice %arg3[%dma_start3A_272, %dma_start3A_273] : memref<1000x128xf32, #tpu.memory_space<hbm>> -> memref<1000x128xf32, #tpu.memory_space<hbm>>
    tpu.enqueue_indirect_dma source(%dma_start3A_274 : memref<1000x128xf32, #tpu.memory_space<hbm>>) target(%dma_start3A_268 : memref<128x128xf32, #tpu.memory_space<vmem>>) offsets(%dma_start3A_271 : memref<128xi32, #tpu.memory_space<vmem>>) semaphore(%arg12 : memref<!tpu.dma_semaphore, #tpu.memory_space<semaphore_mem>>)
    %mul3A_275 = arith.constant 512 : i32
    %mul3A_276 = arith.muli %add3A, %mul3A_275 : i32
    %add3A_277 = arith.constant 256 : i32
    %add3A_278 = arith.addi %mul3A_276, %add3A_277 : i32
    %dma_wait3A_279 = arith.constant 2 : i32
    %dma_wait3A_280 = arith.constant 0 : i32
    %dma_wait3A_281 = arith.constant 0 : i32
    %dma_wait3A_282 = tpu.memref_slice %arg11[%dma_wait3A_280, %dma_wait3A_281] : memref<256x128xf32, #tpu.memory_space<vmem>> -> memref<128x128xf32, #tpu.memory_space<vmem>>
    %dma_wait3A_283 = arith.constant 0 : i32
    %dma_wait3A_284 = tpu.memref_slice %arg9[%dma_wait3A_279, %dma_wait3A_283] : memref<4x128xi32, #tpu.memory_space<vmem>> -> memref<1x128xi32, #tpu.memory_space<vmem>>
    %dma_wait3A_285 = tpu.memref_squeeze %dma_wait3A_284 : memref<1x128xi32, #tpu.memory_space<vmem>> -> memref<128xi32, #tpu.memory_space<vmem>>
    %dma_wait3A_286 = arith.constant 0 : i32
    %dma_wait3A_287 = arith.constant 0 : i32
    %dma_wait3A_288 = tpu.memref_slice %arg3[%dma_wait3A_286, %dma_wait3A_287] : memref<1000x128xf32, #tpu.memory_space<hbm>> -> memref<1000x128xf32, #tpu.memory_space<hbm>>
    tpu.wait_indirect_dma semaphore(%arg12 : memref<!tpu.dma_semaphore, #tpu.memory_space<semaphore_mem>>) src(%dma_wait3A_288 : memref<1000x128xf32, #tpu.memory_space<hbm>>) dst(%dma_wait3A_282 : memref<128x128xf32, #tpu.memory_space<vmem>>)
    %dma_wait3A_289 = arith.constant 3 : i32
    %dma_wait3A_290 = arith.constant 128 : i32
    %dma_wait3A_291 = arith.constant 0 : i32
    %dma_wait3A_292 = tpu.memref_slice %arg11[%dma_wait3A_290, %dma_wait3A_291] : memref<256x128xf32, #tpu.memory_space<vmem>> -> memref<128x128xf32, #tpu.memory_space<vmem>>
    %dma_wait3A_293 = arith.constant 0 : i32
    %dma_wait3A_294 = tpu.memref_slice %arg9[%dma_wait3A_289, %dma_wait3A_293] : memref<4x128xi32, #tpu.memory_space<vmem>> -> memref<1x128xi32, #tpu.memory_space<vmem>>
    %dma_wait3A_295 = tpu.memref_squeeze %dma_wait3A_294 : memref<1x128xi32, #tpu.memory_space<vmem>> -> memref<128xi32, #tpu.memory_space<vmem>>
    %dma_wait3A_296 = arith.constant 0 : i32
    %dma_wait3A_297 = arith.constant 0 : i32
    %dma_wait3A_298 = tpu.memref_slice %arg3[%dma_wait3A_296, %dma_wait3A_297] : memref<1000x128xf32, #tpu.memory_space<hbm>> -> memref<1000x128xf32, #tpu.memory_space<hbm>>
    tpu.wait_indirect_dma semaphore(%arg12 : memref<!tpu.dma_semaphore, #tpu.memory_space<semaphore_mem>>) src(%dma_wait3A_298 : memref<1000x128xf32, #tpu.memory_space<hbm>>) dst(%dma_wait3A_292 : memref<128x128xf32, #tpu.memory_space<vmem>>)
    %dma_start3A_299 = arith.constant 0 : i32
    %dma_start3A_300 = tpu.memref_slice %arg7[%add3A_278, %dma_start3A_299] : memref<16384x128xf32, #tpu.memory_space<hbm>> -> memref<256x128xf32, #tpu.memory_space<hbm>>
    %dma_start3A_301 = arith.constant 0 : i32
    %dma_start3A_302 = tpu.memref_slice %arg7[%add3A_278, %dma_start3A_301] : memref<16384x128xf32, #tpu.memory_space<hbm>> -> memref<256x128xf32, #tpu.memory_space<hbm>>
    tpu.enqueue_dma source(%arg11 : memref<256x128xf32, #tpu.memory_space<vmem>>) target(%dma_start3A_302 : memref<256x128xf32, #tpu.memory_space<hbm>>) target_semaphore(%arg13 : memref<!tpu.dma_semaphore, #tpu.memory_space<semaphore_mem>>)
    %dma_wait3A_303 = arith.constant 0 : i32
    %dma_wait3A_304 = tpu.memref_slice %arg7[%add3A_226, %dma_wait3A_303] : memref<16384x128xf32, #tpu.memory_space<hbm>> -> memref<256x128xf32, #tpu.memory_space<hbm>>
    %dma_wait3A_305 = arith.constant 0 : i32
    %dma_wait3A_306 = tpu.memref_slice %arg7[%add3A_226, %dma_wait3A_305] : memref<16384x128xf32, #tpu.memory_space<hbm>> -> memref<256x128xf32, #tpu.memory_space<hbm>>
    tpu.wait_dma2 semaphore(%arg13 : memref<!tpu.dma_semaphore, #tpu.memory_space<semaphore_mem>>) src(%arg10 : memref<256x128xf32, #tpu.memory_space<vmem>>) dst(%dma_wait3A_306 : memref<256x128xf32, #tpu.memory_space<hbm>>)
    %dma_wait3A_307 = arith.constant 0 : i32
    %dma_wait3A_308 = tpu.memref_slice %arg7[%add3A_278, %dma_wait3A_307] : memref<16384x128xf32, #tpu.memory_space<hbm>> -> memref<256x128xf32, #tpu.memory_space<hbm>>
    %dma_wait3A_309 = arith.constant 0 : i32
    %dma_wait3A_310 = tpu.memref_slice %arg7[%add3A_278, %dma_wait3A_309] : memref<16384x128xf32, #tpu.memory_space<hbm>> -> memref<256x128xf32, #tpu.memory_space<hbm>>
    tpu.wait_dma2 semaphore(%arg13 : memref<!tpu.dma_semaphore, #tpu.memory_space<semaphore_mem>>) src(%arg11 : memref<256x128xf32, #tpu.memory_space<vmem>>) dst(%dma_wait3A_310 : memref<256x128xf32, #tpu.memory_space<hbm>>)
    return
  }
}

module attributes {stable_mosaic.version = 14 : i64} {
  func.func @_node_body(%arg0: i32, %arg1: memref<2x8192xf32, #tpu.memory_space<vmem>>, %arg2: memref<3x8192xi32, #tpu.memory_space<vmem>>, %arg3: memref<64x8192xf32, #tpu.memory_space<vmem>>, %arg4: memref<64x8192xf32, #tpu.memory_space<vmem>>, %arg5: memref<256x3xf32, #tpu.memory_space<vmem>>, %arg6: memref<3x256x16xf32, #tpu.memory_space<vmem>>, %arg7: memref<3x16x128xf32, #tpu.memory_space<vmem>>, %arg8: memref<256x64xf32, #tpu.memory_space<vmem>>, %arg9: memref<2x64xf32, #tpu.memory_space<vmem>>, %arg10: memref<64x1xf32, #tpu.memory_space<vmem>>, %arg11: memref<128x128xf32, #tpu.memory_space<vmem>>, %arg12: memref<32x1000xf32, #tpu.memory_space<vmem>>, %arg13: memref<2x20x16xf32, #tpu.memory_space<vmem>>, %arg14: memref<2x1000xi32, #tpu.memory_space<vmem>>, %arg15: memref<64x64xf32, #tpu.memory_space<vmem>>, %arg16: memref<64x8192xf32, #tpu.memory_space<vmem>>, %arg17: memref<64x8192xf32, #tpu.memory_space<vmem>>, %arg18: memref<8192x128xf32, #tpu.memory_space<vmem>>, %arg19: memref<1000x128xf32, #tpu.memory_space<vmem>>, %arg20: memref<256x512xf32, #tpu.memory_space<vmem>>) attributes {dimension_semantics = [#tpu.dimension_semantics<arbitrary>], iteration_bounds = array<i64: 13>, scalar_prefetch = 0 : i64, scratch_operands = 1 : i64, tpu.core_type = #tpu.core_type<tc>, window_params = [{transform_indices = @transform_0, window_bounds = array<i64: 2, 8192>}, {transform_indices = @transform_1, window_bounds = array<i64: 3, 8192>}, {transform_indices = @transform_2, window_bounds = array<i64: 64, 8192>}, {transform_indices = @transform_3, window_bounds = array<i64: 64, 8192>}, {pipeline_mode = #tpu.pipeline_mode<synchronous>, transform_indices = @transform_4, window_bounds = array<i64: 256, 3>}, {pipeline_mode = #tpu.pipeline_mode<synchronous>, transform_indices = @transform_5, window_bounds = array<i64: 3, 256, 16>}, {pipeline_mode = #tpu.pipeline_mode<synchronous>, transform_indices = @transform_6, window_bounds = array<i64: 3, 16, 128>}, {pipeline_mode = #tpu.pipeline_mode<synchronous>, transform_indices = @transform_7, window_bounds = array<i64: 256, 64>}, {pipeline_mode = #tpu.pipeline_mode<synchronous>, transform_indices = @transform_8, window_bounds = array<i64: 2, 64>}, {pipeline_mode = #tpu.pipeline_mode<synchronous>, transform_indices = @transform_9, window_bounds = array<i64: 64, 1>}, {pipeline_mode = #tpu.pipeline_mode<synchronous>, transform_indices = @transform_10, window_bounds = array<i64: 128, 128>}, {pipeline_mode = #tpu.pipeline_mode<synchronous>, transform_indices = @transform_11, window_bounds = array<i64: 32, 1000>}, {pipeline_mode = #tpu.pipeline_mode<synchronous>, transform_indices = @transform_12, window_bounds = array<i64: 2, 20, 16>}, {pipeline_mode = #tpu.pipeline_mode<synchronous>, transform_indices = @transform_13, window_bounds = array<i64: 2, 1000>}, {pipeline_mode = #tpu.pipeline_mode<synchronous>, transform_indices = @transform_14, window_bounds = array<i64: 64, 64>}, {transform_indices = @transform_15, window_bounds = array<i64: 64, 8192>}, {transform_indices = @transform_16, window_bounds = array<i64: 64, 8192>}, {transform_indices = @transform_17, window_bounds = array<i64: 8192, 128>}, {pipeline_mode = #tpu.pipeline_mode<synchronous>, transform_indices = @transform_18, window_bounds = array<i64: 1000, 128>}]} {
    %eq3A = arith.constant 0 : i32
    %eq3A_0 = arith.cmpi eq, %arg0, %eq3A : i32
    %convert_element_type3A = arith.extui %eq3A_0 : i1 to i32
    %cond3A = arith.constant 0 : i32
    %cond3A_1 = arith.cmpi ne, %convert_element_type3A, %cond3A : i32
    scf.if %cond3A_1 {
      %get3A_89 = arith.constant 0 : index
      %get3A_90 = arith.constant 0 : index
      %get3A_91 = arith.constant 0 : index
      %get3A_92 = vector.load %arg6[%get3A_89, %get3A_90, %get3A_91] : memref<3x256x16xf32, #tpu.memory_space<vmem>>, vector<1x256x16xf32>
      %get3A_93 = vector.shape_cast %get3A_92 : vector<1x256x16xf32> to vector<256x16xf32>
      %get3A_94 = arith.constant 0 : index
      %get3A_95 = arith.constant 0 : index
      %get3A_96 = arith.constant 0 : index
      %get3A_97 = vector.load %arg7[%get3A_94, %get3A_95, %get3A_96] : memref<3x16x128xf32, #tpu.memory_space<vmem>>, vector<1x16x128xf32>
      %get3A_98 = vector.shape_cast %get3A_97 : vector<1x16x128xf32> to vector<16x128xf32>
      %dot_general3A_99 = arith.constant dense<0.000000e+00> : vector<256x128xf32>
      %dot_general3A_100 = tpu.matmul %get3A_93, %get3A_98, %dot_general3A_99 {dimension_numbers = #tpu.dot_dimension_numbers<[1], [0], [0], [1], [0, 0, 1, 1], [], []>, transpose_lhs_hint = false} : vector<256x16xf32>, vector<16x128xf32>, vector<256x128xf32> -> vector<256x128xf32>
      %get3A_101 = arith.constant 1 : index
      %get3A_102 = arith.constant 0 : index
      %get3A_103 = arith.constant 0 : index
      %get3A_104 = vector.load %arg6[%get3A_101, %get3A_102, %get3A_103] : memref<3x256x16xf32, #tpu.memory_space<vmem>>, vector<1x256x16xf32>
      %get3A_105 = vector.shape_cast %get3A_104 : vector<1x256x16xf32> to vector<256x16xf32>
      %get3A_106 = arith.constant 1 : index
      %get3A_107 = arith.constant 0 : index
      %get3A_108 = arith.constant 0 : index
      %get3A_109 = vector.load %arg7[%get3A_106, %get3A_107, %get3A_108] : memref<3x16x128xf32, #tpu.memory_space<vmem>>, vector<1x16x128xf32>
      %get3A_110 = vector.shape_cast %get3A_109 : vector<1x16x128xf32> to vector<16x128xf32>
      %dot_general3A_111 = arith.constant dense<0.000000e+00> : vector<256x128xf32>
      %dot_general3A_112 = tpu.matmul %get3A_105, %get3A_110, %dot_general3A_111 {dimension_numbers = #tpu.dot_dimension_numbers<[1], [0], [0], [1], [0, 0, 1, 1], [], []>, transpose_lhs_hint = false} : vector<256x16xf32>, vector<16x128xf32>, vector<256x128xf32> -> vector<256x128xf32>
      %get3A_113 = arith.constant 2 : index
      %get3A_114 = arith.constant 0 : index
      %get3A_115 = arith.constant 0 : index
      %get3A_116 = vector.load %arg6[%get3A_113, %get3A_114, %get3A_115] : memref<3x256x16xf32, #tpu.memory_space<vmem>>, vector<1x256x16xf32>
      %get3A_117 = vector.shape_cast %get3A_116 : vector<1x256x16xf32> to vector<256x16xf32>
      %get3A_118 = arith.constant 2 : index
      %get3A_119 = arith.constant 0 : index
      %get3A_120 = arith.constant 0 : index
      %get3A_121 = vector.load %arg7[%get3A_118, %get3A_119, %get3A_120] : memref<3x16x128xf32, #tpu.memory_space<vmem>>, vector<1x16x128xf32>
      %get3A_122 = vector.shape_cast %get3A_121 : vector<1x16x128xf32> to vector<16x128xf32>
      %dot_general3A_123 = arith.constant dense<0.000000e+00> : vector<256x128xf32>
      %dot_general3A_124 = tpu.matmul %get3A_117, %get3A_122, %dot_general3A_123 {dimension_numbers = #tpu.dot_dimension_numbers<[1], [0], [0], [1], [0, 0, 1, 1], [], []>, transpose_lhs_hint = false} : vector<256x16xf32>, vector<16x128xf32>, vector<256x128xf32> -> vector<256x128xf32>
      %concatenate3A_125 = tpu.concatenate %dot_general3A_100, %dot_general3A_112, %dot_general3A_124 in 1 : vector<256x128xf32>, vector<256x128xf32>, vector<256x128xf32> -> vector<256x384xf32>
      %swap3A_126 = arith.constant 0 : index
      %swap3A_127 = arith.constant 0 : index
      %swap3A_128 = vector.load %arg20[%swap3A_126, %swap3A_127] : memref<256x512xf32, #tpu.memory_space<vmem>>, vector<256x384xf32>
      tpu.vector_store %arg20[%swap3A_126, %swap3A_127], %concatenate3A_125 {strides = array<i32>} : memref<256x512xf32, #tpu.memory_space<vmem>>, vector<256x384xf32>,
      %get3A_129 = arith.constant 0 : index
      %get3A_130 = arith.constant 0 : index
      %get3A_131 = vector.load %arg8[%get3A_129, %get3A_130] : memref<256x64xf32, #tpu.memory_space<vmem>>, vector<256x64xf32>
      %swap3A_132 = arith.constant 0 : index
      %swap3A_133 = arith.constant 384 : index
      %swap3A_134 = vector.load %arg20[%swap3A_132, %swap3A_133] : memref<256x512xf32, #tpu.memory_space<vmem>>, vector<256x64xf32>
      tpu.vector_store %arg20[%swap3A_132, %swap3A_133], %get3A_131 {strides = array<i32>} : memref<256x512xf32, #tpu.memory_space<vmem>>, vector<256x64xf32>,
      %get3A_135 = arith.constant 0 : index
      %get3A_136 = arith.constant 0 : index
      %get3A_137 = vector.load %arg11[%get3A_135, %get3A_136] : memref<128x128xf32, #tpu.memory_space<vmem>>, vector<64x64xf32>
      %get3A_138 = arith.constant 0 : index
      %get3A_139 = arith.constant 0 : index
      %get3A_140 = vector.load %arg9[%get3A_138, %get3A_139] : memref<2x64xf32, #tpu.memory_space<vmem>>, vector<1x64xf32>
      %mul3A_141 = vector.broadcast %get3A_140 : vector<1x64xf32> to vector<64x64xf32>
      %mul3A_142 = arith.mulf %get3A_137, %mul3A_141 : vector<64x64xf32>
      %get3A_143 = arith.constant 1 : index
      %get3A_144 = arith.constant 0 : index
      %get3A_145 = vector.load %arg9[%get3A_143, %get3A_144] : memref<2x64xf32, #tpu.memory_space<vmem>>, vector<1x64xf32>
      %mul3A_146 = vector.broadcast %get3A_145 : vector<1x64xf32> to vector<64x64xf32>
      %mul3A_147 = arith.mulf %get3A_137, %mul3A_146 : vector<64x64xf32>
      %broadcast_in_dim3A_148 = arith.constant 0.000000e+00 : f32
      %broadcast_in_dim3A_149 = vector.broadcast %broadcast_in_dim3A_148 : f32 to vector<128x64xf32>
      %concatenate3A_150 = tpu.concatenate %mul3A_142, %mul3A_147, %broadcast_in_dim3A_149 in 0 : vector<64x64xf32>, vector<64x64xf32>, vector<128x64xf32> -> vector<256x64xf32>
      %swap3A_151 = arith.constant 0 : index
      %swap3A_152 = arith.constant 448 : index
      %swap3A_153 = vector.load %arg20[%swap3A_151, %swap3A_152] : memref<256x512xf32, #tpu.memory_space<vmem>>, vector<256x64xf32>
      tpu.vector_store %arg20[%swap3A_151, %swap3A_152], %concatenate3A_150 {strides = array<i32>} : memref<256x512xf32, #tpu.memory_space<vmem>>, vector<256x64xf32>,
      %get3A_154 = arith.constant 0 : index
      %get3A_155 = arith.constant 0 : index
      %get3A_156 = vector.load %arg14[%get3A_154, %get3A_155] : memref<2x1000xi32, #tpu.memory_space<vmem>>, vector<2x1000xi32>
      %iota3A_157 = tpu.iota {dimensions = array<i32: 0>} : vector<20x1000xi32>
      %slice3A_158 = vector.extract_strided_slice %get3A_156 {offsets = [0, 0], sizes = [1, 1000], strides = [1, 1]} : vector<2x1000xi32> to vector<1x1000xi32>
      %eq3A_159 = vector.broadcast %slice3A_158 : vector<1x1000xi32> to vector<20x1000xi32>
      %eq3A_160 = arith.cmpi eq, %iota3A_157, %eq3A_159 : vector<20x1000xi32>
      %convert_element_type3A_161 = arith.extui %eq3A_160 : vector<20x1000xi1> to vector<20x1000xi32>
      %convert_element_type3A_162 = arith.sitofp %convert_element_type3A_161 : vector<20x1000xi32> to vector<20x1000xf32>
      %slice3A_163 = vector.extract_strided_slice %get3A_156 {offsets = [1, 0], sizes = [1, 1000], strides = [1, 1]} : vector<2x1000xi32> to vector<1x1000xi32>
      %eq3A_164 = vector.broadcast %slice3A_163 : vector<1x1000xi32> to vector<20x1000xi32>
      %eq3A_165 = arith.cmpi eq, %iota3A_157, %eq3A_164 : vector<20x1000xi32>
      %convert_element_type3A_166 = arith.extui %eq3A_165 : vector<20x1000xi1> to vector<20x1000xi32>
      %convert_element_type3A_167 = arith.sitofp %convert_element_type3A_166 : vector<20x1000xi32> to vector<20x1000xf32>
      %get3A_168 = arith.constant 0 : index
      %get3A_169 = arith.constant 0 : index
      %get3A_170 = vector.load %arg12[%get3A_168, %get3A_169] : memref<32x1000xf32, #tpu.memory_space<vmem>>, vector<32x1000xf32>
      %get3A_171 = arith.constant 0 : index
      %get3A_172 = arith.constant 0 : index
      %get3A_173 = vector.load %arg15[%get3A_171, %get3A_172] : memref<64x64xf32, #tpu.memory_space<vmem>>, vector<32x64xf32>
      %dot_general3A_174 = arith.constant dense<0.000000e+00> : vector<1000x64xf32>
      %dot_general3A_175 = tpu.matmul %get3A_170, %get3A_173, %dot_general3A_174 {dimension_numbers = #tpu.dot_dimension_numbers<[0], [0], [1], [1], [0, 1, 1, 1], [], []>, transpose_lhs_hint = false} : vector<32x1000xf32>, vector<32x64xf32>, vector<1000x64xf32> -> vector<1000x64xf32>
      %get3A_176 = arith.constant 0 : index
      %get3A_177 = arith.constant 0 : index
      %get3A_178 = arith.constant 0 : index
      %get3A_179 = vector.load %arg13[%get3A_176, %get3A_177, %get3A_178] : memref<2x20x16xf32, #tpu.memory_space<vmem>>, vector<1x20x16xf32>
      %get3A_180 = vector.shape_cast %get3A_179 : vector<1x20x16xf32> to vector<20x16xf32>
      %get3A_181 = arith.constant 32 : index
      %get3A_182 = arith.constant 0 : index
      %get3A_183 = vector.load %arg15[%get3A_181, %get3A_182] : memref<64x64xf32, #tpu.memory_space<vmem>>, vector<16x64xf32>
      %dot_general3A_184 = arith.constant dense<0.000000e+00> : vector<20x64xf32>
      %dot_general3A_185 = tpu.matmul %get3A_180, %get3A_183, %dot_general3A_184 {dimension_numbers = #tpu.dot_dimension_numbers<[1], [0], [0], [1], [0, 0, 1, 1], [], []>, transpose_lhs_hint = false} : vector<20x16xf32>, vector<16x64xf32>, vector<20x64xf32> -> vector<20x64xf32>
      %dot_general3A_186 = arith.constant dense<0.000000e+00> : vector<1000x64xf32>
      %dot_general3A_187 = tpu.matmul %convert_element_type3A_162, %dot_general3A_185, %dot_general3A_186 {dimension_numbers = #tpu.dot_dimension_numbers<[0], [0], [1], [1], [0, 1, 1, 1], [], []>, transpose_lhs_hint = false} : vector<20x1000xf32>, vector<20x64xf32>, vector<1000x64xf32> -> vector<1000x64xf32>
      %add3A_188 = arith.addf %dot_general3A_175, %dot_general3A_187 : vector<1000x64xf32>
      %get3A_189 = arith.constant 1 : index
      %get3A_190 = arith.constant 0 : index
      %get3A_191 = arith.constant 0 : index
      %get3A_192 = vector.load %arg13[%get3A_189, %get3A_190, %get3A_191] : memref<2x20x16xf32, #tpu.memory_space<vmem>>, vector<1x20x16xf32>
      %get3A_193 = vector.shape_cast %get3A_192 : vector<1x20x16xf32> to vector<20x16xf32>
      %get3A_194 = arith.constant 48 : index
      %get3A_195 = arith.constant 0 : index
      %get3A_196 = vector.load %arg15[%get3A_194, %get3A_195] : memref<64x64xf32, #tpu.memory_space<vmem>>, vector<16x64xf32>
      %dot_general3A_197 = arith.constant dense<0.000000e+00> : vector<20x64xf32>
      %dot_general3A_198 = tpu.matmul %get3A_193, %get3A_196, %dot_general3A_197 {dimension_numbers = #tpu.dot_dimension_numbers<[1], [0], [0], [1], [0, 0, 1, 1], [], []>, transpose_lhs_hint = false} : vector<20x16xf32>, vector<16x64xf32>, vector<20x64xf32> -> vector<20x64xf32>
      %dot_general3A_199 = arith.constant dense<0.000000e+00> : vector<1000x64xf32>
      %dot_general3A_200 = tpu.matmul %convert_element_type3A_167, %dot_general3A_198, %dot_general3A_199 {dimension_numbers = #tpu.dot_dimension_numbers<[0], [0], [1], [1], [0, 1, 1, 1], [], []>, transpose_lhs_hint = false} : vector<20x1000xf32>, vector<20x64xf32>, vector<1000x64xf32> -> vector<1000x64xf32>
      %add3A_201 = arith.addf %add3A_188, %dot_general3A_200 : vector<1000x64xf32>
      %broadcast_in_dim3A_202 = arith.constant 0.000000e+00 : f32
      %broadcast_in_dim3A_203 = vector.broadcast %broadcast_in_dim3A_202 : f32 to vector<1000x64xf32>
      %concatenate3A_204 = tpu.concatenate %add3A_201, %broadcast_in_dim3A_203 in 1 : vector<1000x64xf32>, vector<1000x64xf32> -> vector<1000x128xf32>
      %swap3A_205 = arith.constant 0 : index
      %swap3A_206 = arith.constant 0 : index
      %swap3A_207 = vector.load %arg19[%swap3A_205, %swap3A_206] : memref<1000x128xf32, #tpu.memory_space<vmem>>, vector<1000x128xf32>
      tpu.vector_store %arg19[%swap3A_205, %swap3A_206], %concatenate3A_204 {strides = array<i32>} : memref<1000x128xf32, #tpu.memory_space<vmem>>, vector<1000x128xf32>,
    } else {
    }
    %get3A = arith.constant 0 : index
    %get3A_2 = arith.constant 0 : index
    %get3A_3 = vector.load %arg2[%get3A, %get3A_2] : memref<3x8192xi32, #tpu.memory_space<vmem>>, vector<3x8192xi32>
    %iota3A = tpu.iota {dimensions = array<i32: 0>} : vector<128x8192xi32>
    %slice3A = vector.extract_strided_slice %get3A_3 {offsets = [0, 0], sizes = [1, 8192], strides = [1, 1]} : vector<3x8192xi32> to vector<1x8192xi32>
    %eq3A_4 = vector.broadcast %slice3A : vector<1x8192xi32> to vector<128x8192xi32>
    %eq3A_5 = arith.cmpi eq, %iota3A, %eq3A_4 : vector<128x8192xi32>
    %convert_element_type3A_6 = arith.extui %eq3A_5 : vector<128x8192xi1> to vector<128x8192xi32>
    %convert_element_type3A_7 = arith.sitofp %convert_element_type3A_6 : vector<128x8192xi32> to vector<128x8192xf32>
    %slice3A_8 = vector.extract_strided_slice %get3A_3 {offsets = [1, 0], sizes = [1, 8192], strides = [1, 1]} : vector<3x8192xi32> to vector<1x8192xi32>
    %eq3A_9 = vector.broadcast %slice3A_8 : vector<1x8192xi32> to vector<128x8192xi32>
    %eq3A_10 = arith.cmpi eq, %iota3A, %eq3A_9 : vector<128x8192xi32>
    %convert_element_type3A_11 = arith.extui %eq3A_10 : vector<128x8192xi1> to vector<128x8192xi32>
    %convert_element_type3A_12 = arith.sitofp %convert_element_type3A_11 : vector<128x8192xi32> to vector<128x8192xf32>
    %slice3A_13 = vector.extract_strided_slice %get3A_3 {offsets = [2, 0], sizes = [1, 8192], strides = [1, 1]} : vector<3x8192xi32> to vector<1x8192xi32>
    %eq3A_14 = vector.broadcast %slice3A_13 : vector<1x8192xi32> to vector<128x8192xi32>
    %eq3A_15 = arith.cmpi eq, %iota3A, %eq3A_14 : vector<128x8192xi32>
    %convert_element_type3A_16 = arith.extui %eq3A_15 : vector<128x8192xi1> to vector<128x8192xi32>
    %convert_element_type3A_17 = arith.sitofp %convert_element_type3A_16 : vector<128x8192xi32> to vector<128x8192xf32>
    %concatenate3A = tpu.concatenate %convert_element_type3A_7, %convert_element_type3A_12, %convert_element_type3A_17 in 0 : vector<128x8192xf32>, vector<128x8192xf32>, vector<128x8192xf32> -> vector<384x8192xf32>
    %get3A_18 = arith.constant 0 : index
    %get3A_19 = arith.constant 0 : index
    %get3A_20 = vector.load %arg3[%get3A_18, %get3A_19] : memref<64x8192xf32, #tpu.memory_space<vmem>>, vector<64x8192xf32>
    %get3A_21 = arith.constant 0 : index
    %get3A_22 = arith.constant 0 : index
    %get3A_23 = vector.load %arg4[%get3A_21, %get3A_22] : memref<64x8192xf32, #tpu.memory_space<vmem>>, vector<64x8192xf32>
    %concatenate3A_24 = tpu.concatenate %concatenate3A, %get3A_20, %get3A_23 in 0 : vector<384x8192xf32>, vector<64x8192xf32>, vector<64x8192xf32> -> vector<512x8192xf32>
    %get3A_25 = arith.constant 0 : index
    %get3A_26 = arith.constant 0 : index
    %get3A_27 = vector.load %arg1[%get3A_25, %get3A_26] : memref<2x8192xf32, #tpu.memory_space<vmem>>, vector<2x8192xf32>
    %broadcast_in_dim3A = arith.constant 1.000000e+00 : f32
    %broadcast_in_dim3A_28 = vector.broadcast %broadcast_in_dim3A : f32 to vector<1x8192xf32>
    %concatenate3A_29 = tpu.concatenate %get3A_27, %broadcast_in_dim3A_28 in 0 : vector<2x8192xf32>, vector<1x8192xf32> -> vector<3x8192xf32>
    %get3A_30 = arith.constant 0 : index
    %get3A_31 = arith.constant 0 : index
    %get3A_32 = vector.load %arg20[%get3A_30, %get3A_31] : memref<256x512xf32, #tpu.memory_space<vmem>>, vector<256x512xf32>
    %dot_general3A = arith.constant dense<0.000000e+00> : vector<256x8192xf32>
    %dot_general3A_33 = tpu.matmul %get3A_32, %concatenate3A_24, %dot_general3A {dimension_numbers = #tpu.dot_dimension_numbers<[1], [0], [0], [1], [0, 0, 1, 1], [], []>, transpose_lhs_hint = false} : vector<256x512xf32>, vector<512x8192xf32>, vector<256x8192xf32> -> vector<256x8192xf32>
    %get3A_34 = arith.constant 0 : index
    %get3A_35 = arith.constant 0 : index
    %get3A_36 = vector.load %arg5[%get3A_34, %get3A_35] : memref<256x3xf32, #tpu.memory_space<vmem>>, vector<256x3xf32>
    %dot_general3A_37 = arith.constant dense<0.000000e+00> : vector<256x8192xf32>
    %dot_general3A_38 = tpu.matmul %get3A_36, %concatenate3A_29, %dot_general3A_37 {dimension_numbers = #tpu.dot_dimension_numbers<[1], [0], [0], [1], [0, 0, 1, 1], [], []>, transpose_lhs_hint = false} : vector<256x3xf32>, vector<3x8192xf32>, vector<256x8192xf32> -> vector<256x8192xf32>
    %add3A = arith.addf %dot_general3A_33, %dot_general3A_38 : vector<256x8192xf32>
    %slice3A_39 = vector.extract_strided_slice %add3A {offsets = [0, 0], sizes = [128, 8192], strides = [1, 1]} : vector<256x8192xf32> to vector<128x8192xf32>
    %logistic3A = arith.negf %slice3A_39 : vector<128x8192xf32>
    %logistic3A_40 = math.exp %logistic3A : vector<128x8192xf32>
    %logistic3A_41 = arith.constant 1.000000e+00 : f32
    %logistic3A_42 = vector.broadcast %logistic3A_41 : f32 to vector<128x8192xf32>
    %logistic3A_43 = arith.addf %logistic3A_42, %logistic3A_40 : vector<128x8192xf32>
    %logistic3A_44 = arith.divf %logistic3A_42, %logistic3A_43 : vector<128x8192xf32>
    %slice3A_45 = vector.extract_strided_slice %logistic3A_44 {offsets = [0, 0], sizes = [64, 8192], strides = [1, 1]} : vector<128x8192xf32> to vector<64x8192xf32>
    %slice3A_46 = vector.extract_strided_slice %logistic3A_44 {offsets = [64, 0], sizes = [64, 8192], strides = [1, 1]} : vector<128x8192xf32> to vector<64x8192xf32>
    %slice3A_47 = vector.extract_strided_slice %add3A {offsets = [128, 0], sizes = [64, 8192], strides = [1, 1]} : vector<256x8192xf32> to vector<64x8192xf32>
    %tanh3A = math.tanh %slice3A_47 : vector<64x8192xf32>
    %mul3A = arith.mulf %slice3A_46, %get3A_23 : vector<64x8192xf32>
    %mul3A_48 = arith.mulf %slice3A_45, %tanh3A : vector<64x8192xf32>
    %add3A_49 = arith.addf %mul3A, %mul3A_48 : vector<64x8192xf32>
    %slice3A_50 = vector.extract_strided_slice %add3A {offsets = [192, 0], sizes = [64, 8192], strides = [1, 1]} : vector<256x8192xf32> to vector<64x8192xf32>
    %get3A_51 = arith.constant 0 : index
    %get3A_52 = arith.constant 0 : index
    %get3A_53 = vector.load %arg10[%get3A_51, %get3A_52] : memref<64x1xf32, #tpu.memory_space<vmem>>, vector<64x1xf32>
    %mul3A_54 = vector.broadcast %get3A_53 : vector<64x1xf32> to vector<64x8192xf32>
    %mul3A_55 = arith.mulf %mul3A_54, %add3A_49 : vector<64x8192xf32>
    %add3A_56 = arith.addf %slice3A_50, %mul3A_55 : vector<64x8192xf32>
    %mul3A_57 = arith.constant 2.000000e+00 : f32
    %mul3A_58 = vector.broadcast %mul3A_57 : f32 to vector<64x8192xf32>
    %mul3A_59 = arith.mulf %mul3A_58, %add3A_49 : vector<64x8192xf32>
    %concatenate3A_60 = tpu.concatenate %add3A_56, %mul3A_59 in 0 : vector<64x8192xf32>, vector<64x8192xf32> -> vector<128x8192xf32>
    %logistic3A_61 = arith.negf %concatenate3A_60 : vector<128x8192xf32>
    %logistic3A_62 = math.exp %logistic3A_61 : vector<128x8192xf32>
    %logistic3A_63 = arith.constant 1.000000e+00 : f32
    %logistic3A_64 = vector.broadcast %logistic3A_63 : f32 to vector<128x8192xf32>
    %logistic3A_65 = arith.addf %logistic3A_64, %logistic3A_62 : vector<128x8192xf32>
    %logistic3A_66 = arith.divf %logistic3A_64, %logistic3A_65 : vector<128x8192xf32>
    %slice3A_67 = vector.extract_strided_slice %logistic3A_66 {offsets = [0, 0], sizes = [64, 8192], strides = [1, 1]} : vector<128x8192xf32> to vector<64x8192xf32>
    %slice3A_68 = vector.extract_strided_slice %logistic3A_66 {offsets = [64, 0], sizes = [64, 8192], strides = [1, 1]} : vector<128x8192xf32> to vector<64x8192xf32>
    %mul3A_69 = arith.constant 2.000000e+00 : f32
    %mul3A_70 = vector.broadcast %mul3A_69 : f32 to vector<64x8192xf32>
    %mul3A_71 = arith.mulf %mul3A_70, %slice3A_68 : vector<64x8192xf32>
    %sub3A = arith.constant 1.000000e+00 : f32
    %sub3A_72 = vector.broadcast %sub3A : f32 to vector<64x8192xf32>
    %sub3A_73 = arith.subf %mul3A_71, %sub3A_72 : vector<64x8192xf32>
    %mul3A_74 = arith.mulf %slice3A_67, %sub3A_73 : vector<64x8192xf32>
    %swap3A = arith.constant 0 : index
    %swap3A_75 = arith.constant 0 : index
    %swap3A_76 = vector.load %arg16[%swap3A, %swap3A_75] : memref<64x8192xf32, #tpu.memory_space<vmem>>, vector<64x8192xf32>
    tpu.vector_store %arg16[%swap3A, %swap3A_75], %mul3A_74 {strides = array<i32>} : memref<64x8192xf32, #tpu.memory_space<vmem>>, vector<64x8192xf32>,
    %swap3A_77 = arith.constant 0 : index
    %swap3A_78 = arith.constant 0 : index
    %swap3A_79 = vector.load %arg17[%swap3A_77, %swap3A_78] : memref<64x8192xf32, #tpu.memory_space<vmem>>, vector<64x8192xf32>
    tpu.vector_store %arg17[%swap3A_77, %swap3A_78], %add3A_49 {strides = array<i32>} : memref<64x8192xf32, #tpu.memory_space<vmem>>, vector<64x8192xf32>,
    %concatenate3A_80 = tpu.concatenate %mul3A_74, %add3A_49 in 0 : vector<64x8192xf32>, vector<64x8192xf32> -> vector<128x8192xf32>
    %get3A_81 = arith.constant 0 : index
    %get3A_82 = arith.constant 0 : index
    %get3A_83 = vector.load %arg11[%get3A_81, %get3A_82] : memref<128x128xf32, #tpu.memory_space<vmem>>, vector<128x128xf32>
    %dot_general3A_84 = arith.constant dense<0.000000e+00> : vector<8192x128xf32>
    %dot_general3A_85 = tpu.matmul %concatenate3A_80, %get3A_83, %dot_general3A_84 {dimension_numbers = #tpu.dot_dimension_numbers<[0], [0], [1], [1], [0, 1, 1, 1], [], []>, transpose_lhs_hint = false} : vector<128x8192xf32>, vector<128x128xf32>, vector<8192x128xf32> -> vector<8192x128xf32>
    %swap3A_86 = arith.constant 0 : index
    %swap3A_87 = arith.constant 0 : index
    %swap3A_88 = vector.load %arg18[%swap3A_86, %swap3A_87] : memref<8192x128xf32, #tpu.memory_space<vmem>>, vector<8192x128xf32>
    tpu.vector_store %arg18[%swap3A_86, %swap3A_87], %dot_general3A_85 {strides = array<i32>} : memref<8192x128xf32, #tpu.memory_space<vmem>>, vector<8192x128xf32>,
    return
  }
  func.func @transform_0(%arg0: i32) -> (i32, i32) {
    %c0_i32 = arith.constant 0 : i32
    %c0_i32_0 = arith.constant 0 : i32
    return %c0_i32, %arg0 : i32, i32
  }
  func.func @transform_1(%arg0: i32) -> (i32, i32) {
    %c0_i32 = arith.constant 0 : i32
    %c0_i32_0 = arith.constant 0 : i32
    return %c0_i32, %arg0 : i32, i32
  }
  func.func @transform_2(%arg0: i32) -> (i32, i32) {
    %c0_i32 = arith.constant 0 : i32
    %c0_i32_0 = arith.constant 0 : i32
    return %c0_i32, %arg0 : i32, i32
  }
  func.func @transform_3(%arg0: i32) -> (i32, i32) {
    %c0_i32 = arith.constant 0 : i32
    %c0_i32_0 = arith.constant 0 : i32
    return %c0_i32, %arg0 : i32, i32
  }
  func.func @transform_4(%arg0: i32) -> (i32, i32) {
    %c0_i32 = arith.constant 0 : i32
    %c0_i32_0 = arith.constant 0 : i32
    %c0_i32_1 = arith.constant 0 : i32
    return %c0_i32, %c0_i32_0 : i32, i32
  }
  func.func @transform_5(%arg0: i32) -> (i32, i32, i32) {
    %c0_i32 = arith.constant 0 : i32
    %c0_i32_0 = arith.constant 0 : i32
    %c0_i32_1 = arith.constant 0 : i32
    %c0_i32_2 = arith.constant 0 : i32
    return %c0_i32, %c0_i32_0, %c0_i32_1 : i32, i32, i32
  }
  func.func @transform_6(%arg0: i32) -> (i32, i32, i32) {
    %c0_i32 = arith.constant 0 : i32
    %c0_i32_0 = arith.constant 0 : i32
    %c0_i32_1 = arith.constant 0 : i32
    %c0_i32_2 = arith.constant 0 : i32
    return %c0_i32, %c0_i32_0, %c0_i32_1 : i32, i32, i32
  }
  func.func @transform_7(%arg0: i32) -> (i32, i32) {
    %c0_i32 = arith.constant 0 : i32
    %c0_i32_0 = arith.constant 0 : i32
    %c0_i32_1 = arith.constant 0 : i32
    return %c0_i32, %c0_i32_0 : i32, i32
  }
  func.func @transform_8(%arg0: i32) -> (i32, i32) {
    %c0_i32 = arith.constant 0 : i32
    %c0_i32_0 = arith.constant 0 : i32
    %c0_i32_1 = arith.constant 0 : i32
    return %c0_i32, %c0_i32_0 : i32, i32
  }
  func.func @transform_9(%arg0: i32) -> (i32, i32) {
    %c0_i32 = arith.constant 0 : i32
    %c0_i32_0 = arith.constant 0 : i32
    %c0_i32_1 = arith.constant 0 : i32
    return %c0_i32, %c0_i32_0 : i32, i32
  }
  func.func @transform_10(%arg0: i32) -> (i32, i32) {
    %c0_i32 = arith.constant 0 : i32
    %c0_i32_0 = arith.constant 0 : i32
    %c0_i32_1 = arith.constant 0 : i32
    return %c0_i32, %c0_i32_0 : i32, i32
  }
  func.func @transform_11(%arg0: i32) -> (i32, i32) {
    %c0_i32 = arith.constant 0 : i32
    %c0_i32_0 = arith.constant 0 : i32
    %c0_i32_1 = arith.constant 0 : i32
    return %c0_i32, %c0_i32_0 : i32, i32
  }
  func.func @transform_12(%arg0: i32) -> (i32, i32, i32) {
    %c0_i32 = arith.constant 0 : i32
    %c0_i32_0 = arith.constant 0 : i32
    %c0_i32_1 = arith.constant 0 : i32
    %c0_i32_2 = arith.constant 0 : i32
    return %c0_i32, %c0_i32_0, %c0_i32_1 : i32, i32, i32
  }
  func.func @transform_13(%arg0: i32) -> (i32, i32) {
    %c0_i32 = arith.constant 0 : i32
    %c0_i32_0 = arith.constant 0 : i32
    %c0_i32_1 = arith.constant 0 : i32
    return %c0_i32, %c0_i32_0 : i32, i32
  }
  func.func @transform_14(%arg0: i32) -> (i32, i32) {
    %c0_i32 = arith.constant 0 : i32
    %c0_i32_0 = arith.constant 0 : i32
    %c0_i32_1 = arith.constant 0 : i32
    return %c0_i32, %c0_i32_0 : i32, i32
  }
  func.func @transform_15(%arg0: i32) -> (i32, i32) {
    %c0_i32 = arith.constant 0 : i32
    %c0_i32_0 = arith.constant 0 : i32
    return %c0_i32, %arg0 : i32, i32
  }
  func.func @transform_16(%arg0: i32) -> (i32, i32) {
    %c0_i32 = arith.constant 0 : i32
    %c0_i32_0 = arith.constant 0 : i32
    return %c0_i32, %arg0 : i32, i32
  }
  func.func @transform_17(%arg0: i32) -> (i32, i32) {
    %c0_i32 = arith.constant 0 : i32
    %c0_i32_0 = arith.constant 0 : i32
    return %arg0, %c0_i32 : i32, i32
  }
  func.func @transform_18(%arg0: i32) -> (i32, i32) {
    %c0_i32 = arith.constant 0 : i32
    %c0_i32_0 = arith.constant 0 : i32
    %c0_i32_1 = arith.constant 0 : i32
    return %c0_i32, %c0_i32_0 : i32, i32
  }
}

module attributes {stable_mosaic.version = 14 : i64} {
  func.func @_mlp_body(%arg0: i32, %arg1: memref<4096x128xf32, #tpu.memory_space<vmem>>, %arg2: memref<4096x128xf32, #tpu.memory_space<vmem>>, %arg3: memref<4096x128xf32, #tpu.memory_space<vmem>>, %arg4: memref<1x4096xf32, #tpu.memory_space<vmem>>, %arg5: memref<64x64xf32, #tpu.memory_space<vmem>>, %arg6: memref<64x64xf32, #tpu.memory_space<vmem>>, %arg7: memref<16x1xf32, #tpu.memory_space<vmem>>, %arg8: memref<16x1xf32, #tpu.memory_space<vmem>>, %arg9: memref<16x64xf32, #tpu.memory_space<vmem>>, %arg10: memref<1x64xf32, #tpu.memory_space<vmem>>, %arg11: memref<64x1xf32, #tpu.memory_space<vmem>>, %arg12: memref<1x1xf32, #tpu.memory_space<vmem>>, %arg13: memref<1x4096xf32, #tpu.memory_space<vmem>>) attributes {dimension_semantics = [#tpu.dimension_semantics<arbitrary>], iteration_bounds = array<i64: 4>, scalar_prefetch = 0 : i64, scratch_operands = 0 : i64, tpu.core_type = #tpu.core_type<tc>, window_params = [{transform_indices = @transform_0, window_bounds = array<i64: 4096, 128>}, {transform_indices = @transform_1, window_bounds = array<i64: 4096, 128>}, {transform_indices = @transform_2, window_bounds = array<i64: 4096, 128>}, {transform_indices = @transform_3, window_bounds = array<i64: 1, 4096>}, {pipeline_mode = #tpu.pipeline_mode<synchronous>, transform_indices = @transform_4, window_bounds = array<i64: 64, 64>}, {pipeline_mode = #tpu.pipeline_mode<synchronous>, transform_indices = @transform_5, window_bounds = array<i64: 64, 64>}, {pipeline_mode = #tpu.pipeline_mode<synchronous>, transform_indices = @transform_6, window_bounds = array<i64: 16, 1>}, {pipeline_mode = #tpu.pipeline_mode<synchronous>, transform_indices = @transform_7, window_bounds = array<i64: 16, 1>}, {pipeline_mode = #tpu.pipeline_mode<synchronous>, transform_indices = @transform_8, window_bounds = array<i64: 16, 64>}, {pipeline_mode = #tpu.pipeline_mode<synchronous>, transform_indices = @transform_9, window_bounds = array<i64: 1, 64>}, {pipeline_mode = #tpu.pipeline_mode<synchronous>, transform_indices = @transform_10, window_bounds = array<i64: 64, 1>}, {pipeline_mode = #tpu.pipeline_mode<synchronous>, transform_indices = @transform_11, window_bounds = array<i64: 1, 1>}, {transform_indices = @transform_12, window_bounds = array<i64: 1, 4096>}]} {
    %get3A = arith.constant 0 : index
    %get3A_0 = arith.constant 0 : index
    %get3A_1 = vector.load %arg7[%get3A, %get3A_0] : memref<16x1xf32, #tpu.memory_space<vmem>>, vector<16x1xf32>
    %get3A_2 = arith.constant 0 : index
    %get3A_3 = arith.constant 0 : index
    %get3A_4 = vector.load %arg4[%get3A_2, %get3A_3] : memref<1x4096xf32, #tpu.memory_space<vmem>>, vector<1x4096xf32>
    %dot_general3A = arith.constant dense<0.000000e+00> : vector<16x4096xf32>
    %dot_general3A_5 = tpu.matmul %get3A_1, %get3A_4, %dot_general3A {dimension_numbers = #tpu.dot_dimension_numbers<[1], [0], [0], [1], [0, 0, 1, 1], [], []>, transpose_lhs_hint = false} : vector<16x1xf32>, vector<1x4096xf32>, vector<16x4096xf32> -> vector<16x4096xf32>
    %get3A_6 = arith.constant 0 : index
    %get3A_7 = arith.constant 0 : index
    %get3A_8 = vector.load %arg8[%get3A_6, %get3A_7] : memref<16x1xf32, #tpu.memory_space<vmem>>, vector<16x1xf32>
    %add3A = vector.broadcast %get3A_8 : vector<16x1xf32> to vector<16x4096xf32>
    %add3A_9 = arith.addf %dot_general3A_5, %add3A : vector<16x4096xf32>
    %get3A_10 = arith.constant 0 : index
    %get3A_11 = arith.constant 0 : index
    %get3A_12 = vector.load %arg1[%get3A_10, %get3A_11] : memref<4096x128xf32, #tpu.memory_space<vmem>>, vector<4096x128xf32>
    %slice3A = vector.extract_strided_slice %get3A_12 {offsets = [0, 0], sizes = [4096, 64], strides = [1, 1]} : vector<4096x128xf32> to vector<4096x64xf32>
    %get3A_13 = arith.constant 0 : index
    %get3A_14 = arith.constant 0 : index
    %get3A_15 = vector.load %arg5[%get3A_13, %get3A_14] : memref<64x64xf32, #tpu.memory_space<vmem>>, vector<64x64xf32>
    %dot_general3A_16 = arith.constant dense<0.000000e+00> : vector<4096x64xf32>
    %dot_general3A_17 = tpu.matmul %slice3A, %get3A_15, %dot_general3A_16 {dimension_numbers = #tpu.dot_dimension_numbers<[1], [0], [0], [1], [0, 0, 1, 1], [], []>, transpose_lhs_hint = false} : vector<4096x64xf32>, vector<64x64xf32>, vector<4096x64xf32> -> vector<4096x64xf32>
    %get3A_18 = arith.constant 0 : index
    %get3A_19 = arith.constant 0 : index
    %get3A_20 = vector.load %arg2[%get3A_18, %get3A_19] : memref<4096x128xf32, #tpu.memory_space<vmem>>, vector<4096x128xf32>
    %slice3A_21 = vector.extract_strided_slice %get3A_20 {offsets = [0, 0], sizes = [4096, 64], strides = [1, 1]} : vector<4096x128xf32> to vector<4096x64xf32>
    %get3A_22 = arith.constant 0 : index
    %get3A_23 = arith.constant 0 : index
    %get3A_24 = vector.load %arg6[%get3A_22, %get3A_23] : memref<64x64xf32, #tpu.memory_space<vmem>>, vector<64x64xf32>
    %dot_general3A_25 = arith.constant dense<0.000000e+00> : vector<4096x64xf32>
    %dot_general3A_26 = tpu.matmul %slice3A_21, %get3A_24, %dot_general3A_25 {dimension_numbers = #tpu.dot_dimension_numbers<[1], [0], [0], [1], [0, 0, 1, 1], [], []>, transpose_lhs_hint = false} : vector<4096x64xf32>, vector<64x64xf32>, vector<4096x64xf32> -> vector<4096x64xf32>
    %add3A_27 = arith.addf %dot_general3A_17, %dot_general3A_26 : vector<4096x64xf32>
    %get3A_28 = arith.constant 0 : index
    %get3A_29 = arith.constant 0 : index
    %get3A_30 = vector.load %arg3[%get3A_28, %get3A_29] : memref<4096x128xf32, #tpu.memory_space<vmem>>, vector<4096x128xf32>
    %slice3A_31 = vector.extract_strided_slice %get3A_30 {offsets = [0, 0], sizes = [4096, 64], strides = [1, 1]} : vector<4096x128xf32> to vector<4096x64xf32>
    %add3A_32 = arith.addf %add3A_27, %slice3A_31 : vector<4096x64xf32>
    %get3A_33 = arith.constant 0 : index
    %get3A_34 = arith.constant 0 : index
    %get3A_35 = vector.load %arg9[%get3A_33, %get3A_34] : memref<16x64xf32, #tpu.memory_space<vmem>>, vector<16x64xf32>
    %dot_general3A_36 = arith.constant dense<0.000000e+00> : vector<4096x64xf32>
    %dot_general3A_37 = tpu.matmul %add3A_9, %get3A_35, %dot_general3A_36 {dimension_numbers = #tpu.dot_dimension_numbers<[0], [0], [1], [1], [0, 1, 1, 1], [], []>, transpose_lhs_hint = false} : vector<16x4096xf32>, vector<16x64xf32>, vector<4096x64xf32> -> vector<4096x64xf32>
    %add3A_38 = arith.addf %add3A_32, %dot_general3A_37 : vector<4096x64xf32>
    %get3A_39 = arith.constant 0 : index
    %get3A_40 = arith.constant 0 : index
    %get3A_41 = vector.load %arg10[%get3A_39, %get3A_40] : memref<1x64xf32, #tpu.memory_space<vmem>>, vector<1x64xf32>
    %add3A_42 = vector.broadcast %get3A_41 : vector<1x64xf32> to vector<4096x64xf32>
    %add3A_43 = arith.addf %add3A_38, %add3A_42 : vector<4096x64xf32>
    %max3A = arith.constant 0.000000e+00 : f32
    %max3A_44 = vector.broadcast %max3A : f32 to vector<4096x64xf32>
    %max3A_45 = arith.maximumf %add3A_43, %max3A_44 : vector<4096x64xf32>
    %get3A_46 = arith.constant 0 : index
    %get3A_47 = arith.constant 0 : index
    %get3A_48 = vector.load %arg11[%get3A_46, %get3A_47] : memref<64x1xf32, #tpu.memory_space<vmem>>, vector<64x1xf32>
    %dot_general3A_49 = arith.constant dense<0.000000e+00> : vector<1x4096xf32>
    %dot_general3A_50 = tpu.matmul %get3A_48, %max3A_45, %dot_general3A_49 {dimension_numbers = #tpu.dot_dimension_numbers<[0], [1], [1], [0], [0, 1, 1, 0], [], []>, transpose_lhs_hint = false} : vector<64x1xf32>, vector<4096x64xf32>, vector<1x4096xf32> -> vector<1x4096xf32>
    %get3A_51 = arith.constant 0 : index
    %get3A_52 = arith.constant 0 : index
    %get3A_53 = vector.load %arg12[%get3A_51, %get3A_52] : memref<1x1xf32, #tpu.memory_space<vmem>>, vector<1x1xf32>
    %add3A_54 = vector.broadcast %get3A_53 : vector<1x1xf32> to vector<1x4096xf32>
    %add3A_55 = arith.addf %dot_general3A_50, %add3A_54 : vector<1x4096xf32>
    %logistic3A = arith.negf %add3A_55 : vector<1x4096xf32>
    %logistic3A_56 = math.exp %logistic3A : vector<1x4096xf32>
    %logistic3A_57 = arith.constant 1.000000e+00 : f32
    %logistic3A_58 = vector.broadcast %logistic3A_57 : f32 to vector<1x4096xf32>
    %logistic3A_59 = arith.addf %logistic3A_58, %logistic3A_56 : vector<1x4096xf32>
    %logistic3A_60 = arith.divf %logistic3A_58, %logistic3A_59 : vector<1x4096xf32>
    %swap3A = arith.constant 0 : index
    %swap3A_61 = arith.constant 0 : index
    %swap3A_62 = vector.load %arg13[%swap3A, %swap3A_61] : memref<1x4096xf32, #tpu.memory_space<vmem>>, vector<1x4096xf32>
    tpu.vector_store %arg13[%swap3A, %swap3A_61], %logistic3A_60 {strides = array<i32>} : memref<1x4096xf32, #tpu.memory_space<vmem>>, vector<1x4096xf32>,
    return
  }
  func.func @transform_0(%arg0: i32) -> (i32, i32) {
    %c0_i32 = arith.constant 0 : i32
    %c0_i32_0 = arith.constant 0 : i32
    return %arg0, %c0_i32 : i32, i32
  }
  func.func @transform_1(%arg0: i32) -> (i32, i32) {
    %add3A = arith.constant 4 : i32
    %add3A_0 = arith.addi %arg0, %add3A : i32
    %c0_i32 = arith.constant 0 : i32
    %c0_i32_1 = arith.constant 0 : i32
    return %add3A_0, %c0_i32 : i32, i32
  }
  func.func @transform_2(%arg0: i32) -> (i32, i32) {
    %c0_i32 = arith.constant 0 : i32
    %c0_i32_0 = arith.constant 0 : i32
    return %arg0, %c0_i32 : i32, i32
  }
  func.func @transform_3(%arg0: i32) -> (i32, i32) {
    %c0_i32 = arith.constant 0 : i32
    %c0_i32_0 = arith.constant 0 : i32
    return %c0_i32, %arg0 : i32, i32
  }
  func.func @transform_4(%arg0: i32) -> (i32, i32) {
    %c0_i32 = arith.constant 0 : i32
    %c0_i32_0 = arith.constant 0 : i32
    %c0_i32_1 = arith.constant 0 : i32
    return %c0_i32, %c0_i32_0 : i32, i32
  }
  func.func @transform_5(%arg0: i32) -> (i32, i32) {
    %c0_i32 = arith.constant 0 : i32
    %c0_i32_0 = arith.constant 0 : i32
    %c0_i32_1 = arith.constant 0 : i32
    return %c0_i32, %c0_i32_0 : i32, i32
  }
  func.func @transform_6(%arg0: i32) -> (i32, i32) {
    %c0_i32 = arith.constant 0 : i32
    %c0_i32_0 = arith.constant 0 : i32
    %c0_i32_1 = arith.constant 0 : i32
    return %c0_i32, %c0_i32_0 : i32, i32
  }
  func.func @transform_7(%arg0: i32) -> (i32, i32) {
    %c0_i32 = arith.constant 0 : i32
    %c0_i32_0 = arith.constant 0 : i32
    %c0_i32_1 = arith.constant 0 : i32
    return %c0_i32, %c0_i32_0 : i32, i32
  }
  func.func @transform_8(%arg0: i32) -> (i32, i32) {
    %c0_i32 = arith.constant 0 : i32
    %c0_i32_0 = arith.constant 0 : i32
    %c0_i32_1 = arith.constant 0 : i32
    return %c0_i32, %c0_i32_0 : i32, i32
  }
  func.func @transform_9(%arg0: i32) -> (i32, i32) {
    %c0_i32 = arith.constant 0 : i32
    %c0_i32_0 = arith.constant 0 : i32
    %c0_i32_1 = arith.constant 0 : i32
    return %c0_i32, %c0_i32_0 : i32, i32
  }
  func.func @transform_10(%arg0: i32) -> (i32, i32) {
    %c0_i32 = arith.constant 0 : i32
    %c0_i32_0 = arith.constant 0 : i32
    %c0_i32_1 = arith.constant 0 : i32
    return %c0_i32, %c0_i32_0 : i32, i32
  }
  func.func @transform_11(%arg0: i32) -> (i32, i32) {
    %c0_i32 = arith.constant 0 : i32
    %c0_i32_0 = arith.constant 0 : i32
    %c0_i32_1 = arith.constant 0 : i32
    return %c0_i32, %c0_i32_0 : i32, i32
  }
  func.func @transform_12(%arg0: i32) -> (i32, i32) {
    %c0_i32 = arith.constant 0 : i32
    %c0_i32_0 = arith.constant 0 : i32
    return %c0_i32, %arg0 : i32, i32
  }
}

</mosaic_0001>

<sc_bundles>
// kernel: kernel.5.cloned.1.call-start
scs
__scs_entry_jumppad:
0x0: {  	(pc) =	sbr.rel $0x88, $3  }
0x1: {  	(tag) =	ssettag $0x0;
	lr =	simm.s32 $0x1  }
0x2: {  	[smem:$0x3F78] =	sst lr;
	_ =	strace $0xD0000000  }
0x3: {  	_ = 	snop  }
0x4: {  	_ = 	snop  }
0x5: {  	_ = 	snop  }
0x6: {  	_ = 	snop  }
0x7: {  	_ = 	snop  }
__scs_overlays_trampoline_lowered:
0x8: {  	[smem:$0x3F87] =	sst s0  }
0x9: {  	[smem:$0x3F88] =	sst s1  }
0xa: {  	[smem:$0x3F89] =	sst s2  }
0xb: {  	[smem:$0x3F8A] =	sst s3  }
0xc: {  	[smem:$0x3F8B] =	sst s4  }
0xd: {  	[smem:$0x3F8C] =	sst s5  }
0xe: {  	[smem:$0x3F8D] =	sst s6  }
0xf: {  	[smem:$0x3F8E] =	sst s7  }
0x10: {  	[smem:$0x3F8F] =	sst s8  }
0x11: {  	[smem:$0x3F90] =	sst s9;
	s0 =	simm.s32 @!p0 $0x0  }
0x12: {  	s1 =	sld [smem:$0x3F76];
	s0 =	simm.s32 @p0 $0x1  }
0x13: {  	[smem:$0x3F91] =	sst s0;
	s0 =	simm.s32 @!p1 $0x0  }
0x14: {  	s2 =	sld [smem:$0x3F75];
	s0 =	simm.s32 @p1 $0x1  }
0x15: {  	[smem:$0x3F92] =	sst s0;
	s0 =	simm.s32 @!p2 $0x0  }
0x16: {  	s3 =	sld [smem:$0x3FDB];
	s0 =	simm.s32 @p2 $0x1  }
0x17: {  	s4 =	simm.s32 $0x1BF5;
	[smem:$0x3F94] =	sst s0  }
0x18: {  	s0 =	sld [smem:$0x3F77];
	_ =	swait.ge [sflag:s4], $0x0  }
0x19: {  	s7 =	sld [smem:$0x3F78]  }
0x1a: {  	s8 =	sadd.s32 $0xFFFFE003, lr  }
0x1b: {  	s9 =	sadd.s32 $0xFFFFFEF7, lr;
	s5 =	simm.s32 $0xFFFFFFFF;
	p2 =	slt.u32 s8, $0xFFFFF086  }
0x1c: {  	p1 =	slt.u32 s9, $0xF7A;
	s5 =	simm.s32 @!p2 $0x0  }
0x1d: {  	s5 =	simm.s32 @p1 $0x1;
	p0 =	seq.s32 s7, s2  }
0x1e: {  	s7 =	smul.u32 @!p0 $0xF7A, s2;
	p2 =	seq.s32 @!p0 s5, $0x0  }
0x1f: {  	s9 =	smul.u32 $0xF7A, s1;
	s8 =	simm.s32 @!p0 $0x1BF5;
	p2 =	por !p2, p0  }
0x20: {  	[sflag:s8] =	ssyncset.s32 @!p0 $0xFFFFF086;
	s6 =	sadd.s32 @!p0 s3, s7;
	s7 =	simm.s32 @!p0 $0x108  }
0x21: {  	s3 =	sadd.s32 s3, s9;
	s6 =	sadd.s32 @!p0 $0x88, s6;
	s7 =	simm.s32 @p2 $0x1082  }
0x22: {  	[simem:s7], [sflag:s8] =	dma.local @!p0 [hbm:s6], $0xF7A  }
0x23: {  	s9 =	sor.u32 $0xD0000000, s2;
	s6 =	simm.s32 $0x108;
	_ =	swait.ge @!p0 [sflag:s8], $0x0  }
0x24: {  	s3 =	sadd.s32 $0x88, s3;
	s6 =	simm.s32 @!p1 $0x1082;
	[sflag:s4] =	ssyncset.s32 $0xFFFFF086  }
0x25: {  	[simem:s6], [sflag:s4] =	dma.local [hbm:s3], $0xF7A  }
0x26: {  	[smem:$0x3F78] =	sst s1;
	(tag) =	ssettag s2;
	_ =	strace s9  }
0x27: {  	s1 =	sld [smem:$0x3F88]  }
0x28: {  	s2 =	sld [smem:$0x3F89]  }
0x29: {  	s4 =	sld [smem:$0x3F8B]  }
0x2a: {  	p0 =	seq.s32 s5, $0x0;
	s5 =	sld [smem:$0x3F8C]  }
0x2b: {  	s6 =	sld [smem:$0x3F8D]  }
0x2c: {  	s7 =	sld [smem:$0x3F8E]  }
0x2d: {  	s3 =	simm.s32 $0x108;
	s8 =	sld [smem:$0x3F8F]  }
0x2e: {  	s3 =	simm.s32 @!p0 $0x1082;
	s9 =	sld [smem:$0x3F90]  }
0x2f: {  	lr =	sadd.s32 s0, s3;
	s0 =	sld [smem:$0x3F87]  }
0x30: {  	s3 =	sld [smem:$0x3F8A]  }
0x31: {  	[smem:$0x3F93] =	sst s10  }
0x32: {  	s10 =	sld [smem:$0x3F91];
	_ =	sdelay $0x3  }
0x33: {  	p0 =	seq.s32 s10, $0x1;
	s10 =	sld [smem:$0x3F93];
	_ =	sdelay $0x3  }
0x34: {  	[smem:$0x3F93] =	sst s10  }
0x35: {  	s10 =	sld [smem:$0x3F92];
	_ =	sdelay $0x3  }
0x36: {  	p1 =	seq.s32 s10, $0x1;
	s10 =	sld [smem:$0x3F93];
	_ =	sdelay $0x3  }
0x37: {  	[smem:$0x3F93] =	sst s10  }
0x38: {  	s10 =	sld [smem:$0x3F94]  }
0x39: {  	_ = 	snop;
	(pc) =	sbr.ind lr, $3  }
0x3a: {  	_ = 	snop  }
0x3b: {  	_ = 	snop  }
0x3c: {  	p2 =	seq.s32 s10, $0x1;
	s10 =	sld [smem:$0x3F93]  }
0x3d: {  	_ =	shalt  }
0x3e: {  	_ =	shalt  }
0x3f: {  	_ =	shalt  }
0x40: {  	_ =	shalt  }
0x41: {  	_ =	shalt  }
0x42: {  	_ =	shalt  }
0x43: {  	_ =	shalt  }
0x44: {  	_ =	shalt  }
0x45: {  	_ =	shalt  }
0x46: {  	_ =	shalt  }
0x47: {  	_ =	shalt  }
0x48: {  	_ =	shalt  }
0x49: {  	_ =	shalt  }
0x4a: {  	_ =	shalt  }
0x4b: {  	_ =	shalt  }
0x4c: {  	_ =	shalt  }
0x4d: {  	_ =	shalt  }
0x4e: {  	_ =	shalt  }
0x4f: {  	_ =	shalt  }
0x50: {  	_ =	shalt  }
0x51: {  	_ =	shalt  }
0x52: {  	_ =	shalt  }
0x53: {  	_ =	shalt  }
0x54: {  	_ =	shalt  }
0x55: {  	_ =	shalt  }
0x56: {  	_ =	shalt  }
0x57: {  	_ =	shalt  }
0x58: {  	_ =	shalt  }
0x59: {  	_ =	shalt  }
0x5a: {  	_ =	shalt  }
0x5b: {  	_ =	shalt  }
0x5c: {  	_ =	shalt  }
0x5d: {  	_ =	shalt  }
0x5e: {  	_ =	shalt  }
0x5f: {  	_ =	shalt  }
0x60: {  	_ =	shalt  }
0x61: {  	_ =	shalt  }
0x62: {  	_ =	shalt  }
0x63: {  	_ =	shalt  }
0x64: {  	_ =	shalt  }
0x65: {  	_ =	shalt  }
0x66: {  	_ =	shalt  }
0x67: {  	_ =	shalt  }
0x68: {  	_ =	shalt  }
0x69: {  	_ =	shalt  }
0x6a: {  	_ =	shalt  }
0x6b: {  	_ =	shalt  }
0x6c: {  	_ =	shalt  }
0x6d: {  	_ =	shalt  }
0x6e: {  	_ =	shalt  }
0x6f: {  	_ =	shalt  }
0x70: {  	_ =	shalt  }
0x71: {  	_ =	shalt  }
0x72: {  	_ =	shalt  }
0x73: {  	_ =	shalt  }
0x74: {  	_ =	shalt  }
0x75: {  	_ =	shalt  }
0x76: {  	_ =	shalt  }
0x77: {  	_ =	shalt  }
0x78: {  	_ =	shalt  }
0x79: {  	_ =	shalt  }
0x7a: {  	_ =	shalt  }
0x7b: {  	_ =	shalt  }
0x7c: {  	_ =	shalt  }
0x7d: {  	_ =	shalt  }
0x7e: {  	_ =	shalt  }
0x7f: {  	_ =	shalt  }
0x80: {  	_ =	shalt  }
0x81: {  	_ =	shalt  }
0x82: {  	_ =	shalt  }
0x83: {  	_ =	shalt  }
0x84: {  	_ =	shalt  }
0x85: {  	_ =	shalt  }
0x86: {  	_ =	shalt  }
0x87: {  	_ =	shalt  }
.Lfunc_end0:
.L_simem_size_0:
called_computation_lowered:
.L_overlay_start_0:
0x88: {  	s2 =	sld [smem:$0x3FD9]  }
0x89: {  	s3 =	sld [smem:$0x3FFE];
	_ =	sdelay $0x1  }
0x8a: {  	s1 =	srdreg.scid  }
0x8b: {  	s0 =	sand.u32 $0x1, s1  }
0x8c: {  	s17 =	sshll.u32 s0, $0xA;
	s2 =	sadd.s32 s3, s2  }
0x8d: {  	s2 =	sadd.s32 s2, s17  }
0x8e: {  	[smem:$0x3F9F] =	sst s2  }
0x8f: {  	_ = 	snop  }
0x90: {  	s2 =	sld [smem:$0x3FC7];
	(tm) =	ssettm $0x1  }
0x91: {  	s18 =	sld [smem:$0x3FFB];
	_ =	sdelay $0x3  }
0x92: {  	_ =	strace s18  }
0x93: {  	s3 =	sld [smem:$0x3FFC];
	_ =	sdelay $0x3  }
0x94: {  	_ =	strace s3  }
0x95: {  	s3 =	sld [smem:$0x3FFD];
	_ =	sdelay $0x3  }
0x96: {  	_ =	strace s3  }
0x97: {  	_ =	strace $0x8FFFFFFF  }
0x98: {  	s19 =	sld [smem:$0x3FDB];
	_ =	sdelay $0x1  }
0x99: {  	s4 =	simm.s32 $_scs_section_size  }
0x9a: {  	s5 =	simm.s32 $_size__tile_overlayer_lowered;
	s6 =	simm.s32 $_tile_overlayer_lowered  }
0x9b: {  	s22 =	simm.s32 $0x1BFF;
	s21 =	sshll.u32 s6, $0x1;
	s3 =	sadd.s32 s4, s19  }
0x9c: {  	s7 =	simm.s32 $0x0;
	s20 =	sshll.u32 s5, $0x1;
	s5 =	sadd.s32 s21, s3  }
0x9d: {  	[timem:s7], [sflag:s22] =	dma.local [hbm:s5], s20  }
0x9e: {  	_ =	swait.ge [sflag:s22], s20  }
0x9f: {  	s4 =	ssub.s32 $0x0, s20;
	[sflag:s22] =	ssyncset.done $0x0  }
0xa0: {  	[sflag:s22] =	ssyncadd.s32 s4;
	_ =	sdelay $0x1  }
0xa1: {  	s23 =	simm.s32 $0x1B8B  }
0xa2: {  	_ =	swait.ge [sflag:s23], $0x1  }
0xa3: {  	[sflag:s23] =	ssyncset.done $0x0  }
0xa4: {  	s25 =	simm.s32 $0x1B8E;
	s24 =	sld [smem:$0x3FFE];
	[sflag:s23] =	ssyncadd.s32 $0xFFFFFFFF  }
0xa5: {  	s26 =	simm.s32 $execute0_lowered;
	[smem:$0x3FD2] =	sst s25  }
0xa6: {  	s5 =	sshll.u32 s26, $0x1;
	_ =	strace $0x80000046;
	[dreg:$0x1] =	wrdreg $0xFFFFFFFF  }
0xa7: {  	s28 =	simm.s32 $_size_execute0_lowered;
	s3 =	sadd.s32 s3, s5;
	[dreg:$0x0] =	wrdreg $0x0  }
0xa8: {  	s5 =	sshll.u32 s28, $0x1;
	[dreg:$0x2] =	wrdreg s3  }
0xa9: {  	[dreg:$0x3] =	wrdreg s5  }
0xaa: {  	[dreg:$0x4] =	wrdreg $0xC0  }
0xab: {  	_ =	task [dreg:s7], $0x5FFFF  }
0xac: {  	[dreg:$0x1] =	wrdreg $0xFFFFFFFF  }
0xad: {  	[dreg:$0x0] =	wrdreg $0x60  }
0xae: {  	[dreg:$0x2] =	wrdreg s24  }
0xaf: {  	[dreg:$0x3] =	wrdreg s2  }
0xb0: {  	[dreg:$0x4] =	wrdreg $0x9  }
0xb1: {  	_ =	task.clear_ibuf [dreg:s7], $0x5FFFF;
	_ =	strace $0x90000046  }
0xb2: {  	s29 =	simm.s32 $0x9;
	_ =	strace $0x80000048  }
0xb3: {  	_ =	swait.ge [sflag:s29], $0x1  }
0xb4: {  	[sflag:s29] =	ssyncadd.s32 $0xFFFFFFFF  }
0xb5: {  	_ =	strace $0x90000048  }
0xb6: {  	_ =	sfence  }
0xb7: {  	s30 =	sld [smem:$0x0];
	_ =	sdelay $0x2  }
0xb8: {  	s31 =	sshll.u32 s1, $0xD;
	s1 =	sshrl.u32 s1, $0x2  }
0xb9: {  	s3 =	sand.u32 $0x4000, s31;
	s1 =	sadd.s32 s1, s30  }
0xba: {  	s0 =	sor.u32 s3, s0;
	s1 =	sshll.u32 s1, $0x11  }
0xbb: {  	s0 =	sor.u32 s1, s0  }
0xbc: {  	s0 =	sadd.s32 $0x8F2B, s0  }
0xbd: {  	[sflag:s0] =	ssyncadd.remote.s32 $0x1  }
0xbe: {  	_ =	sfence.sel $0xFFFF  }
0xbf: {  	[dreg:$0x0] =	wrdreg $0xFFFFFFFF;
	(pc) =	sbr.abs _section_cstart, $3  }
0xc0: {  	[dreg:$0x1] =	wrdreg $0xFFFFFFFF  }
0xc1: {  	_ =	task.clear_ibuf [dreg:s7], $0x2FFFF;
	_ =	strace $0x9FFFFFFF  }
0xc2: {  	(tm) =	ssettm $0x7FFFFFFF  }
0xc3: {  	_ =	shalt  }
tec
execute0_lowered:
.L_overlay_start_1:
0x0: {  	(tag) =	ssettag $0x1  }
0x1: {  	s4 =	rddreg [dreg:$0x0]  }
0x2: {  	s5 =	rddreg [dreg:$0x1];
	s2 =	simm.s32 $0x0  }
0x3: {  	s3 =	srdreg.scid;
	s1 =	stileid.u32;
	s30 =	simm.s32 $0x3  }
0x4: {  	s14 =	simm.s32 $0x400;
	s15 =	simm.s32 $0x4600;
	s29 =	simm.s32 $0x180  }
0x5: {  	s24 =	simm.s32 $0x200;
	s25 =	simm.s32 $0x280;
	p0 =	por $0x0, $0x0  }
0x6: {  	s21 =	simm.s32 $0x300;
	s22 =	simm.s32 $0x380;
	s19 =	simm.s32 $0x480  }
0x7: {  	s17 =	simm.s32 $0x580;
	[smem:$0x7FF] =	sst s2;
	s6 =	sand.u32 $0x1, s3  }
0x8: {  	s26 =	sshll.u32 s1, $0x1;
	s8 =	sadd.s32 $0x3800, s4;
	s3 =	sadd.s32 $0x18A200, s4  }
0x9: {  	_ =	strace $0x80000047;
	s7 =	sor.u32 s6, s26;
	s6 =	ssub.s32 $0x2, s6  }
0xa: {  	s26 =	simm.s32 $0x100;
	s9 =	sshll.u32 s7, $0x7;
	s10 =	sshll.u32 s7, $0xE  }
0xb: {  	s11 =	sshll.u32 s7, $0xD;
	s12 =	sshrl.u32 s6, $0x1;
	s7 =	sshll.u32 s7, $0x6  }
0xc: {  	s9 =	sadd.s32 s9, s4;
	s10 =	sadd.s32 s10, s4;
	s6 =	ssub.s32 s6, s12  }
0xd: {  	s4 =	sadd.s32 s11, s4;
	s28 =	sadd.s32 s5, s7;
	s16 =	smax.u32 s6, $0x1  }
0xe: {  	s11 =	simm.s32 $0x600;
	s7 =	simm.s32 $0x8600;
	p1 =	sne.s32 s16, $0x1  }
.Ltmp0:
0xf: {  	s12 =	simm.s32 $0xC600;
	s9 =	sadd.s32 $0x2800, s9;
	(pc) =	sbr.rel @!p1 .LBB2_3-.Ltmp0, $4  }
0x10: {  	s5 =	simm.s32 $0x2;
	s23 =	sadd.s32 $0x1CE200, s10;
	s20 =	sadd.s32 $0x1CF200, s10  }
0x11: {  	s18 =	sadd.s32 $0x1D0200, s10;
	s13 =	sadd.s32 $0x1D1200, s10;
	s10 =	simm.s32 $0x80  }
0x12: {  	s6 =	simm.s32 $0x1;
	[dreg:$0x3] =	wrdreg s9;
	s9 =	sadd.s32 $0x18E200, s4  }
0x13: {  	s4 =	sadd.s32 $0x18F200, s4;
	s31 =	sadd.s32 $0xFFFFFFFF, s16;
	s16 =	simm.s32 $0x500  }
0x14: {  	s0 =	rddreg [dreg:$0x3]  }
0x15: {  	[tilespmem:s2], [sflag:$0x3] =	stream.linear.gather [hbm4b:s0+s2], $0x400, $0x38;
	[tilespmem:$0x10600] =	vst v63  }
0x16: {  	_ =	swait.ge [sflag:s30], $0x400  }
0x17: {  	[sflag:s30] =	ssyncset.done $0x0  }
0x18: {  	[sflag:s30] =	ssyncadd.s32 $0xFFFFFC00  }
0x19: {  	[tilespmem:s14], [sflag:$0x3] =	stream.linear.gather [hbm4b:s28+s2], $0x200, $0x38;
	[tilespmem:$0x10600] =	vst v63  }
0x1a: {  	_ =	swait.ge [sflag:s30], $0x200  }
0x1b: {  	[sflag:s30] =	ssyncset.done $0x0  }
0x1c: {  	[sflag:s30] =	ssyncadd.s32 $0xFFFFFE00  }
0x1d: {  	[tilespmem:s11], [sflag:$0x1] =	stream.indirect.gather [hbm4b:s8+s10], $0x80, s2, s10, $0xb8;
	[tilespmem:$0x10600] =	vst v63  }
0x1e: {  	_ = 	snop  }
0x1f: {  	[tilespmem:s15], [sflag:$0x1] =	stream.indirect.gather [hbm4b:s8+s10], $0x80, s10, s10, $0xb8;
	[tilespmem:$0x10600] =	vst v63  }
0x20: {  	_ =	swait.ge [sflag:s6], $0x4000  }
0x21: {  	[sflag:s6] =	ssyncset.done $0x0  }
0x22: {  	[sflag:s6] =	ssyncadd.s32 $0xFFFFC000  }
0x23: {  	_ =	swait.ge [sflag:s6], $0x4000  }
0x24: {  	[sflag:s6] =	ssyncset.done $0x0  }
0x25: {  	[sflag:s6] =	ssyncadd.s32 $0xFFFFC000  }
0x26: {  	[hbm4b:s23+s2] =	stream.linear.scatter [tilespmem:s11], [sflag:$0x2], $0x8000, $0x38;
	[tilespmem:$0x10600] =	vst v63  }
0x27: {  	_ = 	snop  }
0x28: {  	[tilespmem:s7], [sflag:$0x1] =	stream.indirect.gather [hbm4b:s8+s10], $0x80, s26, s10, $0xb8;
	[tilespmem:$0x10600] =	vst v63  }
0x29: {  	_ = 	snop  }
0x2a: {  	[tilespmem:s12], [sflag:$0x1] =	stream.indirect.gather [hbm4b:s8+s10], $0x80, s29, s10, $0xb8;
	[tilespmem:$0x10600] =	vst v63  }
0x2b: {  	_ =	swait.ge [sflag:s6], $0x4000  }
0x2c: {  	[sflag:s6] =	ssyncset.done $0x0  }
0x2d: {  	[sflag:s6] =	ssyncadd.s32 $0xFFFFC000  }
0x2e: {  	_ =	swait.ge [sflag:s6], $0x4000  }
0x2f: {  	[sflag:s6] =	ssyncset.done $0x0  }
0x30: {  	[sflag:s6] =	ssyncadd.s32 $0xFFFFC000  }
0x31: {  	[hbm4b:s20+s2] =	stream.linear.scatter [tilespmem:s7], [sflag:$0x2], $0x8000, $0x38;
	[tilespmem:$0x10600] =	vst v63  }
0x32: {  	_ =	swait.ge [sflag:s5], $0x8000  }
0x33: {  	[sflag:s5] =	ssyncset.done $0x0  }
0x34: {  	[sflag:s5] =	ssyncadd.s32 $0xFFFF8000  }
0x35: {  	[tilespmem:s11], [sflag:$0x1] =	stream.indirect.gather [hbm4b:s8+s10], $0x80, s24, s10, $0xb8;
	[tilespmem:$0x10600] =	vst v63  }
0x36: {  	_ = 	snop  }
0x37: {  	[tilespmem:s15], [sflag:$0x1] =	stream.indirect.gather [hbm4b:s8+s10], $0x80, s25, s10, $0xb8;
	[tilespmem:$0x10600] =	vst v63  }
0x38: {  	_ =	swait.ge [sflag:s6], $0x4000  }
0x39: {  	[sflag:s6] =	ssyncset.done $0x0  }
0x3a: {  	[sflag:s6] =	ssyncadd.s32 $0xFFFFC000  }
0x3b: {  	_ =	swait.ge [sflag:s6], $0x4000  }
0x3c: {  	[sflag:s6] =	ssyncset.done $0x0  }
0x3d: {  	[sflag:s6] =	ssyncadd.s32 $0xFFFFC000  }
0x3e: {  	[hbm4b:s18+s2] =	stream.linear.scatter [tilespmem:s11], [sflag:$0x2], $0x8000, $0x38;
	[tilespmem:$0x10600] =	vst v63  }
0x3f: {  	_ =	swait.ge [sflag:s5], $0x8000  }
0x40: {  	[sflag:s5] =	ssyncset.done $0x0  }
0x41: {  	[sflag:s5] =	ssyncadd.s32 $0xFFFF8000  }
0x42: {  	[tilespmem:s7], [sflag:$0x1] =	stream.indirect.gather [hbm4b:s8+s10], $0x80, s21, s10, $0xb8;
	[tilespmem:$0x10600] =	vst v63  }
0x43: {  	_ = 	snop  }
0x44: {  	[tilespmem:s12], [sflag:$0x1] =	stream.indirect.gather [hbm4b:s8+s10], $0x80, s22, s10, $0xb8;
	[tilespmem:$0x10600] =	vst v63  }
0x45: {  	_ =	swait.ge [sflag:s6], $0x4000  }
0x46: {  	[sflag:s6] =	ssyncset.done $0x0  }
0x47: {  	[sflag:s6] =	ssyncadd.s32 $0xFFFFC000  }
0x48: {  	_ =	swait.ge [sflag:s6], $0x4000  }
0x49: {  	[sflag:s6] =	ssyncset.done $0x0  }
0x4a: {  	[sflag:s6] =	ssyncadd.s32 $0xFFFFC000  }
0x4b: {  	[hbm4b:s13+s2] =	stream.linear.scatter [tilespmem:s7], [sflag:$0x2], $0x8000, $0x38;
	[tilespmem:$0x10600] =	vst v63  }
0x4c: {  	_ =	swait.ge [sflag:s5], $0x8000  }
0x4d: {  	[sflag:s5] =	ssyncset.done $0x0  }
0x4e: {  	[sflag:s5] =	ssyncadd.s32 $0xFFFF8000  }
0x4f: {  	[tilespmem:s11], [sflag:$0x1] =	stream.indirect.gather [hbm4b:s3+s10], $0x80, s14, s10, $0xb8;
	[tilespmem:$0x10600] =	vst v63  }
0x50: {  	_ = 	snop  }
0x51: {  	[tilespmem:s15], [sflag:$0x1] =	stream.indirect.gather [hbm4b:s3+s10], $0x80, s19, s10, $0xb8;
	[tilespmem:$0x10600] =	vst v63  }
0x52: {  	_ =	swait.ge [sflag:s6], $0x4000  }
0x53: {  	[sflag:s6] =	ssyncset.done $0x0  }
0x54: {  	[sflag:s6] =	ssyncadd.s32 $0xFFFFC000  }
0x55: {  	_ =	swait.ge [sflag:s6], $0x4000  }
0x56: {  	[sflag:s6] =	ssyncset.done $0x0  }
0x57: {  	[sflag:s6] =	ssyncadd.s32 $0xFFFFC000  }
0x58: {  	[hbm4b:s9+s2] =	stream.linear.scatter [tilespmem:s11], [sflag:$0x2], $0x8000, $0x38;
	[tilespmem:$0x10600] =	vst v63  }
0x59: {  	_ =	swait.ge [sflag:s5], $0x8000  }
0x5a: {  	[sflag:s5] =	ssyncset.done $0x0  }
0x5b: {  	[sflag:s5] =	ssyncadd.s32 $0xFFFF8000  }
0x5c: {  	[tilespmem:s7], [sflag:$0x1] =	stream.indirect.gather [hbm4b:s3+s10], $0x80, s16, s10, $0xb8;
	[tilespmem:$0x10600] =	vst v63  }
0x5d: {  	_ = 	snop  }
0x5e: {  	[tilespmem:s12], [sflag:$0x1] =	stream.indirect.gather [hbm4b:s3+s10], $0x80, s17, s10, $0xb8;
	[tilespmem:$0x10600] =	vst v63  }
0x5f: {  	_ =	swait.ge [sflag:s6], $0x4000  }
0x60: {  	[sflag:s6] =	ssyncset.done $0x0  }
0x61: {  	[sflag:s6] =	ssyncadd.s32 $0xFFFFC000  }
0x62: {  	_ =	swait.ge [sflag:s6], $0x4000  }
0x63: {  	[sflag:s6] =	ssyncset.done $0x0  }
0x64: {  	p1 =	sne.s32 s31, $0x1;
	[sflag:s6] =	ssyncadd.s32 $0xFFFFC000  }
0x65: {  	[hbm4b:s4+s2] =	stream.linear.scatter [tilespmem:s7], [sflag:$0x2], $0x8000, $0x38;
	[tilespmem:$0x10600] =	vst v63  }
.Ltmp1:
0x66: {  	_ =	swait.ge [sflag:s5], $0x8000;
	(pc) =	sbr.rel @!p1 .LBB2_3-.Ltmp1, $4  }
0x67: {  	[sflag:s5] =	ssyncset.done $0x0  }
0x68: {  	[sflag:s5] =	ssyncadd.s32 $0xFFFF8000  }
0x69: {  	_ =	swait.ge [sflag:s5], $0x8000  }
0x6a: {  	s31 =	sadd.s32 $0xFFFFFFFF, s31;
	p0 =	por $0x1, $0x1;
	[sflag:s5] =	ssyncset.done $0x0  }
.LBB2_2:
0x6b: {  	s0 =	rddreg [dreg:$0x3];
	[sflag:s5] =	ssyncadd.s32 $0xFFFF8000  }
0x6c: {  	[tilespmem:s2], [sflag:$0x3] =	stream.linear.gather [hbm4b:s0+s2], $0x400, $0x38;
	[tilespmem:$0x10600] =	vst v63  }
0x6d: {  	_ =	swait.ge [sflag:s30], $0x400  }
0x6e: {  	[sflag:s30] =	ssyncset.done $0x0  }
0x6f: {  	[sflag:s30] =	ssyncadd.s32 $0xFFFFFC00  }
0x70: {  	[tilespmem:s14], [sflag:$0x3] =	stream.linear.gather [hbm4b:s28+s2], $0x200, $0x38;
	[tilespmem:$0x10600] =	vst v63  }
0x71: {  	_ =	swait.ge [sflag:s30], $0x200  }
0x72: {  	[sflag:s30] =	ssyncset.done $0x0  }
0x73: {  	[sflag:s30] =	ssyncadd.s32 $0xFFFFFE00  }
0x74: {  	[tilespmem:s11], [sflag:$0x1] =	stream.indirect.gather [hbm4b:s8+s10], $0x80, s2, s10, $0xb8;
	[tilespmem:$0x10600] =	vst v63  }
0x75: {  	_ = 	snop  }
0x76: {  	[tilespmem:s15], [sflag:$0x1] =	stream.indirect.gather [hbm4b:s8+s10], $0x80, s10, s10, $0xb8;
	[tilespmem:$0x10600] =	vst v63  }
0x77: {  	_ =	swait.ge [sflag:s6], $0x4000  }
0x78: {  	[sflag:s6] =	ssyncset.done $0x0  }
0x79: {  	[sflag:s6] =	ssyncadd.s32 $0xFFFFC000  }
0x7a: {  	_ =	swait.ge [sflag:s6], $0x4000  }
0x7b: {  	[sflag:s6] =	ssyncset.done $0x0  }
0x7c: {  	[sflag:s6] =	ssyncadd.s32 $0xFFFFC000  }
0x7d: {  	[hbm4b:s23+s2] =	stream.linear.scatter [tilespmem:s11], [sflag:$0x2], $0x8000, $0x38;
	[tilespmem:$0x10600] =	vst v63  }
0x7e: {  	_ = 	snop  }
0x7f: {  	[tilespmem:s7], [sflag:$0x1] =	stream.indirect.gather [hbm4b:s8+s10], $0x80, s26, s10, $0xb8;
	[tilespmem:$0x10600] =	vst v63  }
0x80: {  	_ = 	snop  }
0x81: {  	[tilespmem:s12], [sflag:$0x1] =	stream.indirect.gather [hbm4b:s8+s10], $0x80, s29, s10, $0xb8;
	[tilespmem:$0x10600] =	vst v63  }
0x82: {  	_ =	swait.ge [sflag:s6], $0x4000  }
0x83: {  	[sflag:s6] =	ssyncset.done $0x0  }
0x84: {  	[sflag:s6] =	ssyncadd.s32 $0xFFFFC000  }
0x85: {  	_ =	swait.ge [sflag:s6], $0x4000  }
0x86: {  	[sflag:s6] =	ssyncset.done $0x0  }
0x87: {  	[sflag:s6] =	ssyncadd.s32 $0xFFFFC000  }
0x88: {  	[hbm4b:s20+s2] =	stream.linear.scatter [tilespmem:s7], [sflag:$0x2], $0x8000, $0x38;
	[tilespmem:$0x10600] =	vst v63  }
0x89: {  	_ =	swait.ge [sflag:s5], $0x8000  }
0x8a: {  	[sflag:s5] =	ssyncset.done $0x0  }
0x8b: {  	[sflag:s5] =	ssyncadd.s32 $0xFFFF8000  }
0x8c: {  	[tilespmem:s11], [sflag:$0x1] =	stream.indirect.gather [hbm4b:s8+s10], $0x80, s24, s10, $0xb8;
	[tilespmem:$0x10600] =	vst v63  }
0x8d: {  	_ = 	snop  }
0x8e: {  	[tilespmem:s15], [sflag:$0x1] =	stream.indirect.gather [hbm4b:s8+s10], $0x80, s25, s10, $0xb8;
	[tilespmem:$0x10600] =	vst v63  }
0x8f: {  	_ =	swait.ge [sflag:s6], $0x4000  }
0x90: {  	[sflag:s6] =	ssyncset.done $0x0  }
0x91: {  	[sflag:s6] =	ssyncadd.s32 $0xFFFFC000  }
0x92: {  	_ =	swait.ge [sflag:s6], $0x4000  }
0x93: {  	[sflag:s6] =	ssyncset.done $0x0  }
0x94: {  	[sflag:s6] =	ssyncadd.s32 $0xFFFFC000  }
0x95: {  	[hbm4b:s18+s2] =	stream.linear.scatter [tilespmem:s11], [sflag:$0x2], $0x8000, $0x38;
	[tilespmem:$0x10600] =	vst v63  }
0x96: {  	_ =	swait.ge [sflag:s5], $0x8000  }
0x97: {  	[sflag:s5] =	ssyncset.done $0x0  }
0x98: {  	[sflag:s5] =	ssyncadd.s32 $0xFFFF8000  }
0x99: {  	[tilespmem:s7], [sflag:$0x1] =	stream.indirect.gather [hbm4b:s8+s10], $0x80, s21, s10, $0xb8;
	[tilespmem:$0x10600] =	vst v63  }
0x9a: {  	_ = 	snop  }
0x9b: {  	[tilespmem:s12], [sflag:$0x1] =	stream.indirect.gather [hbm4b:s8+s10], $0x80, s22, s10, $0xb8;
	[tilespmem:$0x10600] =	vst v63  }
0x9c: {  	_ =	swait.ge [sflag:s6], $0x4000  }
0x9d: {  	[sflag:s6] =	ssyncset.done $0x0  }
0x9e: {  	[sflag:s6] =	ssyncadd.s32 $0xFFFFC000  }
0x9f: {  	_ =	swait.ge [sflag:s6], $0x4000  }
0xa0: {  	[sflag:s6] =	ssyncset.done $0x0  }
0xa1: {  	[sflag:s6] =	ssyncadd.s32 $0xFFFFC000  }
0xa2: {  	[hbm4b:s13+s2] =	stream.linear.scatter [tilespmem:s7], [sflag:$0x2], $0x8000, $0x38;
	[tilespmem:$0x10600] =	vst v63  }
0xa3: {  	_ =	swait.ge [sflag:s5], $0x8000  }
0xa4: {  	[sflag:s5] =	ssyncset.done $0x0  }
0xa5: {  	[sflag:s5] =	ssyncadd.s32 $0xFFFF8000  }
0xa6: {  	[tilespmem:s11], [sflag:$0x1] =	stream.indirect.gather [hbm4b:s3+s10], $0x80, s14, s10, $0xb8;
	[tilespmem:$0x10600] =	vst v63  }
0xa7: {  	_ = 	snop  }
0xa8: {  	[tilespmem:s15], [sflag:$0x1] =	stream.indirect.gather [hbm4b:s3+s10], $0x80, s19, s10, $0xb8;
	[tilespmem:$0x10600] =	vst v63  }
0xa9: {  	_ =	swait.ge [sflag:s6], $0x4000  }
0xaa: {  	[sflag:s6] =	ssyncset.done $0x0  }
0xab: {  	[sflag:s6] =	ssyncadd.s32 $0xFFFFC000  }
0xac: {  	_ =	swait.ge [sflag:s6], $0x4000  }
0xad: {  	[sflag:s6] =	ssyncset.done $0x0  }
0xae: {  	[sflag:s6] =	ssyncadd.s32 $0xFFFFC000  }
0xaf: {  	[hbm4b:s9+s2] =	stream.linear.scatter [tilespmem:s11], [sflag:$0x2], $0x8000, $0x38;
	[tilespmem:$0x10600] =	vst v63  }
0xb0: {  	_ =	swait.ge [sflag:s5], $0x8000  }
0xb1: {  	[sflag:s5] =	ssyncset.done $0x0  }
0xb2: {  	[sflag:s5] =	ssyncadd.s32 $0xFFFF8000  }
0xb3: {  	[tilespmem:s7], [sflag:$0x1] =	stream.indirect.gather [hbm4b:s3+s10], $0x80, s16, s10, $0xb8;
	[tilespmem:$0x10600] =	vst v63  }
0xb4: {  	_ = 	snop  }
0xb5: {  	[tilespmem:s12], [sflag:$0x1] =	stream.indirect.gather [hbm4b:s3+s10], $0x80, s17, s10, $0xb8;
	[tilespmem:$0x10600] =	vst v63  }
0xb6: {  	_ =	swait.ge [sflag:s6], $0x4000  }
0xb7: {  	[sflag:s6] =	ssyncset.done $0x0  }
0xb8: {  	[sflag:s6] =	ssyncadd.s32 $0xFFFFC000  }
0xb9: {  	_ =	swait.ge [sflag:s6], $0x4000  }
0xba: {  	[sflag:s6] =	ssyncset.done $0x0  }
0xbb: {  	p1 =	sne.s32 s31, $0x1;
	[sflag:s6] =	ssyncadd.s32 $0xFFFFC000  }
0xbc: {  	[hbm4b:s4+s2] =	stream.linear.scatter [tilespmem:s7], [sflag:$0x2], $0x8000, $0x38;
	[tilespmem:$0x10600] =	vst v63  }
.Ltmp2:
0xbd: {  	_ =	swait.ge [sflag:s5], $0x8000;
	(pc) =	sbr.rel @p1 .LBB2_2-.Ltmp2, $4  }
0xbe: {  	[sflag:s5] =	ssyncset.done $0x0  }
0xbf: {  	[sflag:s5] =	ssyncadd.s32 $0xFFFF8000  }
0xc0: {  	_ =	swait.ge [sflag:s5], $0x8000  }
0xc1: {  	s31 =	sadd.s32 $0xFFFFFFFF, s31;
	[sflag:s5] =	ssyncset.done $0x0  }
.LBB2_3:
0xc2: {  	s0 =	rddreg [dreg:$0x3];
	[sflag:s5] =	ssyncadd.s32 @p0 $0xFFFF8000  }
0xc3: {  	[tilespmem:s2], [sflag:$0x3] =	stream.linear.gather [hbm4b:s0+s2], $0x400, $0x38;
	[tilespmem:$0x10600] =	vst v63  }
0xc4: {  	_ =	swait.ge [sflag:s30], $0x400  }
0xc5: {  	[sflag:s30] =	ssyncset.done $0x0  }
0xc6: {  	[sflag:s30] =	ssyncadd.s32 $0xFFFFFC00  }
0xc7: {  	[tilespmem:s14], [sflag:$0x3] =	stream.linear.gather [hbm4b:s28+s2], $0x200, $0x38;
	[tilespmem:$0x10600] =	vst v63  }
0xc8: {  	_ =	swait.ge [sflag:s30], $0x200  }
0xc9: {  	[sflag:s30] =	ssyncset.done $0x0  }
0xca: {  	[sflag:s30] =	ssyncadd.s32 $0xFFFFFE00  }
0xcb: {  	[tilespmem:s11], [sflag:$0x1] =	stream.indirect.gather [hbm4b:s8+s10], $0x80, s2, s10, $0xb8;
	[tilespmem:$0x10600] =	vst v63  }
0xcc: {  	_ = 	snop  }
0xcd: {  	[tilespmem:s15], [sflag:$0x1] =	stream.indirect.gather [hbm4b:s8+s10], $0x80, s10, s10, $0xb8;
	[tilespmem:$0x10600] =	vst v63  }
0xce: {  	_ =	swait.ge [sflag:s6], $0x4000  }
0xcf: {  	[sflag:s6] =	ssyncset.done $0x0  }
0xd0: {  	[sflag:s6] =	ssyncadd.s32 $0xFFFFC000  }
0xd1: {  	_ =	swait.ge [sflag:s6], $0x4000  }
0xd2: {  	[sflag:s6] =	ssyncset.done $0x0  }
0xd3: {  	[sflag:s6] =	ssyncadd.s32 $0xFFFFC000  }
0xd4: {  	[hbm4b:s23+s2] =	stream.linear.scatter [tilespmem:s11], [sflag:$0x2], $0x8000, $0x38;
	[tilespmem:$0x10600] =	vst v63  }
0xd5: {  	_ = 	snop  }
0xd6: {  	[tilespmem:s7], [sflag:$0x1] =	stream.indirect.gather [hbm4b:s8+s10], $0x80, s26, s10, $0xb8;
	[tilespmem:$0x10600] =	vst v63  }
0xd7: {  	_ = 	snop  }
0xd8: {  	[tilespmem:s12], [sflag:$0x1] =	stream.indirect.gather [hbm4b:s8+s10], $0x80, s29, s10, $0xb8;
	[tilespmem:$0x10600] =	vst v63  }
0xd9: {  	_ =	swait.ge [sflag:s6], $0x4000  }
0xda: {  	[sflag:s6] =	ssyncset.done $0x0  }
0xdb: {  	[sflag:s6] =	ssyncadd.s32 $0xFFFFC000  }
0xdc: {  	_ =	swait.ge [sflag:s6], $0x4000  }
0xdd: {  	[sflag:s6] =	ssyncset.done $0x0  }
0xde: {  	[sflag:s6] =	ssyncadd.s32 $0xFFFFC000  }
0xdf: {  	[hbm4b:s20+s2] =	stream.linear.scatter [tilespmem:s7], [sflag:$0x2], $0x8000, $0x38;
	[tilespmem:$0x10600] =	vst v63  }
0xe0: {  	_ =	swait.ge [sflag:s5], $0x8000  }
0xe1: {  	[sflag:s5] =	ssyncset.done $0x0  }
0xe2: {  	[sflag:s5] =	ssyncadd.s32 $0xFFFF8000  }
0xe3: {  	[tilespmem:s11], [sflag:$0x1] =	stream.indirect.gather [hbm4b:s8+s10], $0x80, s24, s10, $0xb8;
	[tilespmem:$0x10600] =	vst v63  }
0xe4: {  	_ = 	snop  }
0xe5: {  	[tilespmem:s15], [sflag:$0x1] =	stream.indirect.gather [hbm4b:s8+s10], $0x80, s25, s10, $0xb8;
	[tilespmem:$0x10600] =	vst v63  }
0xe6: {  	_ =	swait.ge [sflag:s6], $0x4000  }
0xe7: {  	[sflag:s6] =	ssyncset.done $0x0  }
0xe8: {  	[sflag:s6] =	ssyncadd.s32 $0xFFFFC000  }
0xe9: {  	_ =	swait.ge [sflag:s6], $0x4000  }
0xea: {  	[sflag:s6] =	ssyncset.done $0x0  }
0xeb: {  	[sflag:s6] =	ssyncadd.s32 $0xFFFFC000  }
0xec: {  	[hbm4b:s18+s2] =	stream.linear.scatter [tilespmem:s11], [sflag:$0x2], $0x8000, $0x38;
	[tilespmem:$0x10600] =	vst v63  }
0xed: {  	_ =	swait.ge [sflag:s5], $0x8000  }
0xee: {  	[sflag:s5] =	ssyncset.done $0x0  }
0xef: {  	[sflag:s5] =	ssyncadd.s32 $0xFFFF8000  }
0xf0: {  	[tilespmem:s7], [sflag:$0x1] =	stream.indirect.gather [hbm4b:s8+s10], $0x80, s21, s10, $0xb8;
	[tilespmem:$0x10600] =	vst v63  }
0xf1: {  	_ = 	snop  }
0xf2: {  	[tilespmem:s12], [sflag:$0x1] =	stream.indirect.gather [hbm4b:s8+s10], $0x80, s22, s10, $0xb8;
	[tilespmem:$0x10600] =	vst v63  }
0xf3: {  	_ =	swait.ge [sflag:s6], $0x4000  }
0xf4: {  	[sflag:s6] =	ssyncset.done $0x0  }
0xf5: {  	[sflag:s6] =	ssyncadd.s32 $0xFFFFC000  }
0xf6: {  	_ =	swait.ge [sflag:s6], $0x4000  }
0xf7: {  	[sflag:s6] =	ssyncset.done $0x0  }
0xf8: {  	[sflag:s6] =	ssyncadd.s32 $0xFFFFC000  }
0xf9: {  	[hbm4b:s13+s2] =	stream.linear.scatter [tilespmem:s7], [sflag:$0x2], $0x8000, $0x38;
	[tilespmem:$0x10600] =	vst v63  }
0xfa: {  	_ =	swait.ge [sflag:s5], $0x8000  }
0xfb: {  	[sflag:s5] =	ssyncset.done $0x0  }
0xfc: {  	[sflag:s5] =	ssyncadd.s32 $0xFFFF8000  }
0xfd: {  	[tilespmem:s11], [sflag:$0x1] =	stream.indirect.gather [hbm4b:s3+s10], $0x80, s14, s10, $0xb8;
	[tilespmem:$0x10600] =	vst v63  }
0xfe: {  	_ = 	snop  }
0xff: {  	[tilespmem:s15], [sflag:$0x1] =	stream.indirect.gather [hbm4b:s3+s10], $0x80, s19, s10, $0xb8;
	[tilespmem:$0x10600] =	vst v63  }
0x100: {  	_ =	swait.ge [sflag:s6], $0x4000  }
0x101: {  	[sflag:s6] =	ssyncset.done $0x0  }
0x102: {  	[sflag:s6] =	ssyncadd.s32 $0xFFFFC000  }
0x103: {  	_ =	swait.ge [sflag:s6], $0x4000  }
0x104: {  	[sflag:s6] =	ssyncset.done $0x0  }
0x105: {  	[sflag:s6] =	ssyncadd.s32 $0xFFFFC000  }
0x106: {  	[hbm4b:s9+s2] =	stream.linear.scatter [tilespmem:s11], [sflag:$0x2], $0x8000, $0x38;
	[tilespmem:$0x10600] =	vst v63  }
0x107: {  	_ =	swait.ge [sflag:s5], $0x8000  }
0x108: {  	[sflag:s5] =	ssyncset.done $0x0  }
0x109: {  	[sflag:s5] =	ssyncadd.s32 $0xFFFF8000  }
0x10a: {  	[tilespmem:s7], [sflag:$0x1] =	stream.indirect.gather [hbm4b:s3+s10], $0x80, s16, s10, $0xb8;
	[tilespmem:$0x10600] =	vst v63  }
0x10b: {  	_ = 	snop  }
0x10c: {  	[tilespmem:s12], [sflag:$0x1] =	stream.indirect.gather [hbm4b:s3+s10], $0x80, s17, s10, $0xb8;
	[tilespmem:$0x10600] =	vst v63  }
0x10d: {  	_ =	swait.ge [sflag:s6], $0x4000  }
0x10e: {  	[sflag:s6] =	ssyncset.done $0x0  }
0x10f: {  	[sflag:s6] =	ssyncadd.s32 $0xFFFFC000  }
0x110: {  	_ =	swait.ge [sflag:s6], $0x4000  }
0x111: {  	[sflag:s6] =	ssyncset.done $0x0  }
0x112: {  	[sflag:s6] =	ssyncadd.s32 $0xFFFFC000  }
0x113: {  	[hbm4b:s4+s2] =	stream.linear.scatter [tilespmem:s7], [sflag:$0x2], $0x8000, $0x38;
	[tilespmem:$0x10600] =	vst v63  }
0x114: {  	_ =	swait.ge [sflag:s5], $0x8000  }
0x115: {  	[sflag:s5] =	ssyncset.done $0x0  }
0x116: {  	[sflag:s5] =	ssyncadd.s32 $0xFFFF8000  }
0x117: {  	_ =	swait.ge [sflag:s5], $0x8000  }
0x118: {  	[sflag:s5] =	ssyncset.done $0x0  }
0x119: {  	[sflag:s5] =	ssyncadd.s32 $0xFFFF8000  }
0x11a: {  	_ =	sfence.sel $0x180000  }
0x11b: {  	[bflag:$0x0] =	sbarrier.arrive $0xFFFF  }
0x11c: {  	_ =	strace $0x90000047  }
0x11d: {  	[bflag:$0x2] =	sbarrier.arrive $0xFFFF  }
0x11e: {  	p0 =	sne.s32 s1, $0x0;
	s0 =	rddreg [dreg:$0x2]  }
0x11f: {  	s0 =	sadd.s32 @!p0 $0x100000, s0  }
0x120: {  	[sflag:s0] =	ssyncadd.tile.s32 @!p0 $0x1;
	_ =	shalt  }
.Lfunc_end2:
_tile_overlayer_lowered:
.L_overlay_start_2:
0x121: {  	(tag) =	ssettag $0x2  }
0x122: {  	s0 =	rddreg [dreg:$0x0];
	s2 =	stileid.u32  }
0x123: {  	s1 =	rddreg [dreg:$0x1];
	p0 =	sne.s32 s2, $0x0  }
0x124: {  	s3 =	rddreg [dreg:$0x2];
	[bflag:$0x3] =	sbarrier.arrive $0xFFFF;
	s2 =	simm.s32 @!p0 $0x1C03  }
0x125: {  	[timem:s3], [sflag:s2] =	dma.local @!p0 [hbm:s0], s1  }
0x126: {  	s0 =	simm.s32 @!p0 $0x3  }
0x127: {  	_ =	swait.ge @!p0 [sflag:s0], s1  }
0x128: {  	s1 =	ssub.s32 @!p0 $0x0, s1;
	[sflag:s0] =	ssyncset.done @!p0 $0x0  }
0x129: {  	[sflag:s0] =	ssyncadd.s32 @!p0 s1  }
0x12a: {  	[bflag:$0x3] =	sbarrier.arrive $0xFFFF  }
0x12b: {  	_ =	shalt  }

</sc_bundles>
